<compile_context>
chip_gen: v7x
topology: tpu7x:2x2x1
jax: 0.10.2.dev20260603
libtpu: 0.0.44.dev20260713+nightly
codegen_flags: <defaults>
</compile_context>

<pallas_src>
import functools

import jax
import jax.numpy as jnp
from jax import lax
from jax.experimental import pallas as pl
from jax.experimental.pallas import tpu as pltpu
from jax.experimental.pallas import tpu_sc as plsc

_D = 64
_NC = 2
_NS = 16
_NW = _NC * _NS
_CHUNK = 128
_CPG = 2
_GROUP = _CHUNK * _CPG
_NBANK = 5
_AHEAD = 4


@functools.lru_cache(maxsize=None)
def _make_gather(b_total: int):
  b_per_w = b_total // _NW
  n_chunk = b_per_w // _CHUNK
  n_group = n_chunk // _CPG
  assert n_group % _NBANK == 0
  n_outer = n_group // _NBANK
  mesh = plsc.VectorSubcoreMesh(core_axis_name="c", subcore_axis_name="s")

  bank_types = [pltpu.VMEM((_GROUP, _D), jnp.float32) for _ in range(_NBANK)]
  gsem_types = [pltpu.SemaphoreType.DMA for _ in range(_NBANK)]
  ssem_types = [pltpu.SemaphoreType.DMA for _ in range(_NBANK)]

  @functools.partial(
      pl.kernel,
      mesh=mesh,
      out_type=jax.ShapeDtypeStruct((b_total, _D), jnp.float32),
      scratch_types=[pltpu.VMEM((n_chunk, _CHUNK), jnp.int32)]
      + bank_types + gsem_types + ssem_types,
      compiler_params=pltpu.CompilerParams(use_tc_tiling_on_sc=False),
  )
  def gather_kernel(table_hbm, idx_hbm, out_hbm, idx_v, *scratch):
    banks = scratch[:_NBANK]
    gsems = scratch[_NBANK:2 * _NBANK]
    ssems = scratch[2 * _NBANK:]
    wid = lax.axis_index("s") * _NC + lax.axis_index("c")
    pltpu.sync_copy(idx_hbm.at[wid], idx_v)
    base = wid * b_per_w

    def fire(g, b):
      for c in range(_CPG):
        pltpu.async_copy(
            table_hbm.at[idx_v.at[_CPG * g + c]],
            banks[b].at[pl.ds(c * _CHUNK, _CHUNK)],
            gsems[b],
        )

    def wait_gathers(b):
      pltpu.make_async_copy(
          table_hbm.at[pl.ds(0, _GROUP)], banks[b], gsems[b]).wait()

    def store(g, b):
      pltpu.async_copy(
          banks[b], out_hbm.at[pl.ds(base + g * _GROUP, _GROUP)], ssems[b])

    def wait_store(b):
      pltpu.make_async_copy(
          banks[b], out_hbm.at[pl.ds(base, _GROUP)], ssems[b]).wait()

    for g in range(_AHEAD):
      fire(g, g % _NBANK)

    def body(q, carry):
      for s in range(_NBANK):
        g = q * _NBANK + s
        b = s
        wait_gathers(b)
        store(g, b)
        nb = (s + _AHEAD) % _NBANK
        if s + _AHEAD < _NBANK:
          @pl.when(q > 0)
          def _():
            wait_store(nb)
            fire(g + _AHEAD, nb)

          @pl.when(q == 0)
          def _():
            fire(g + _AHEAD, nb)
        else:
          @pl.when(q * _NBANK + s + _AHEAD < n_group)
          def _():
            wait_store(nb)
            fire(g + _AHEAD, nb)
      return carry

    lax.fori_loop(0, n_outer, body, 0)

    for b in range(_NBANK):
      wait_store(b)

  return gather_kernel


def kernel(embed, timestep):
  b, t = timestep.shape
  b_total = b * t
  embed_p = jnp.pad(embed, ((0, 0), (0, _D))).reshape(2 * embed.shape[0], _D)
  idx = (timestep.T.astype(jnp.int32) * 2).reshape(
      _NW, b_total // (_NW * _CHUNK), _CHUNK)
  out = _make_gather(b_total)(embed_p, idx)
  return out.reshape(t, b, _D).transpose(1, 0, 2)

# --- scband reference (transcript-rebuilt; emitter-appended) ---
"""Pipeline reference for scband-gather-12713103196623 (READ-ONLY COPY).

The authoritative reference and input builder live on the scoring server;
editing this copy changes nothing except your own understanding.
"""

import jax, jax.numpy as jnp
import numpy as np

def setup_inputs(seed: int = 0) -> dict:
    key = jax.random.key(seed)
    k1, k2 = jax.random.split(key)
    embed = jax.random.normal(k1, (1000000, 64), dtype=jnp.float32)
    timestep = jax.random.randint(k2, (16384, 50), 0, 1000000, dtype=jnp.int64 if jax.config.jax_enable_x64 else jnp.int32)
    return {"embed": embed, "timestep": timestep}

def reference(embed, timestep):
    # tf.gather(embed, timestep) gathers along axis 0
    return jnp.take(embed, timestep, axis=0)

if __name__ == "__main__":
    import jax
    _d = setup_inputs()
    print(jax.jit(kernel)(*tuple(_d.values())))

</pallas_src>

<mosaic_0001>
#map = affine_map<(d0, d1) -> (0, 0)>
#map1 = affine_map<(d0, d1) -> (0, 0, 0)>
module attributes {stable_mosaic.version = 14 : i64} {
  func.func @gather_kernel(%arg0: i32, %arg1: i32, %arg2: memref<2000000x64xf32, #tpu.memory_space<hbm>>, %arg3: memref<32x200x128xi32, #tpu.memory_space<hbm>>, %arg4: memref<819200x64xf32, #tpu.memory_space<hbm>>, %arg5: memref<200x128xi32, #tpu.memory_space<vmem>>, %arg6: memref<256x64xf32, #tpu.memory_space<vmem>>, %arg7: memref<256x64xf32, #tpu.memory_space<vmem>>, %arg8: memref<256x64xf32, #tpu.memory_space<vmem>>, %arg9: memref<256x64xf32, #tpu.memory_space<vmem>>, %arg10: memref<256x64xf32, #tpu.memory_space<vmem>>, %arg11: memref<!tpu.dma_semaphore, #tpu.memory_space<semaphore_mem>>, %arg12: memref<!tpu.dma_semaphore, #tpu.memory_space<semaphore_mem>>, %arg13: memref<!tpu.dma_semaphore, #tpu.memory_space<semaphore_mem>>, %arg14: memref<!tpu.dma_semaphore, #tpu.memory_space<semaphore_mem>>, %arg15: memref<!tpu.dma_semaphore, #tpu.memory_space<semaphore_mem>>, %arg16: memref<!tpu.dma_semaphore, #tpu.memory_space<semaphore_mem>>, %arg17: memref<!tpu.dma_semaphore, #tpu.memory_space<semaphore_mem>>, %arg18: memref<!tpu.dma_semaphore, #tpu.memory_space<semaphore_mem>>, %arg19: memref<!tpu.dma_semaphore, #tpu.memory_space<semaphore_mem>>, %arg20: memref<!tpu.dma_semaphore, #tpu.memory_space<semaphore_mem>>) attributes {dimension_semantics = [#tpu.dimension_semantics<core_parallel>, #tpu.dimension_semantics<subcore_parallel>], iteration_bounds = array<i64: 2, 16>, scalar_prefetch = 0 : i64, scratch_operands = 16 : i64, tpu.core_type = #tpu.core_type<sc_vector_subcore>, window_params = [{transform_indices = #map}, {transform_indices = #map1}, {transform_indices = #map}]} {
    %mul3A = arith.constant 2 : i32
    %mul3A_0 = arith.muli %arg1, %mul3A : i32
    %add3A = arith.addi %mul3A_0, %arg0 : i32
    "tpu.region"() ({
      %run_scoped3A = tpu.sem_alloc : memref<!tpu.dma_semaphore, #tpu.memory_space<semaphore_mem>>
      %dma_start3A_106 = arith.constant 0 : i32
      %dma_start3A_107 = arith.constant 0 : i32
      %dma_start3A_108 = tpu.memref_slice %arg3[%add3A, %dma_start3A_106, %dma_start3A_107] : memref<32x200x128xi32, #tpu.memory_space<hbm>> -> memref<1x200x128xi32, #tpu.memory_space<hbm>>
      %dma_start3A_109 = tpu.memref_squeeze %dma_start3A_108 : memref<1x200x128xi32, #tpu.memory_space<hbm>> -> memref<200x128xi32, #tpu.memory_space<hbm>>
      %dma_start3A_110 = arith.constant 0 : i32
      %dma_start3A_111 = arith.constant 0 : i32
      %dma_start3A_112 = tpu.memref_slice %arg3[%add3A, %dma_start3A_110, %dma_start3A_111] : memref<32x200x128xi32, #tpu.memory_space<hbm>> -> memref<1x200x128xi32, #tpu.memory_space<hbm>>
      %dma_start3A_113 = tpu.memref_squeeze %dma_start3A_112 : memref<1x200x128xi32, #tpu.memory_space<hbm>> -> memref<200x128xi32, #tpu.memory_space<hbm>>
      tpu.enqueue_dma source(%dma_start3A_113 : memref<200x128xi32, #tpu.memory_space<hbm>>) target(%arg5 : memref<200x128xi32, #tpu.memory_space<vmem>>) target_semaphore(%run_scoped3A : memref<!tpu.dma_semaphore, #tpu.memory_space<semaphore_mem>>)
      %dma_wait3A_114 = arith.constant 0 : i32
      %dma_wait3A_115 = arith.constant 0 : i32
      %dma_wait3A_116 = tpu.memref_slice %arg3[%add3A, %dma_wait3A_114, %dma_wait3A_115] : memref<32x200x128xi32, #tpu.memory_space<hbm>> -> memref<1x200x128xi32, #tpu.memory_space<hbm>>
      %dma_wait3A_117 = tpu.memref_squeeze %dma_wait3A_116 : memref<1x200x128xi32, #tpu.memory_space<hbm>> -> memref<200x128xi32, #tpu.memory_space<hbm>>
      %dma_wait3A_118 = arith.constant 0 : i32
      %dma_wait3A_119 = arith.constant 0 : i32
      %dma_wait3A_120 = tpu.memref_slice %arg3[%add3A, %dma_wait3A_118, %dma_wait3A_119] : memref<32x200x128xi32, #tpu.memory_space<hbm>> -> memref<1x200x128xi32, #tpu.memory_space<hbm>>
      %dma_wait3A_121 = tpu.memref_squeeze %dma_wait3A_120 : memref<1x200x128xi32, #tpu.memory_space<hbm>> -> memref<200x128xi32, #tpu.memory_space<hbm>>
      tpu.wait_dma2 semaphore(%run_scoped3A : memref<!tpu.dma_semaphore, #tpu.memory_space<semaphore_mem>>) src(%dma_wait3A_121 : memref<200x128xi32, #tpu.memory_space<hbm>>) dst(%arg5 : memref<200x128xi32, #tpu.memory_space<vmem>>)
      tpu.yield
    }) : () -> ()
    %mul3A_1 = arith.constant 25600 : i32
    %mul3A_2 = arith.muli %add3A, %mul3A_1 : i32
    %dma_start3A = arith.constant 0 : i32
    %dma_start3A_3 = arith.constant 0 : i32
    %dma_start3A_4 = arith.constant 0 : i32
    %dma_start3A_5 = tpu.memref_slice %arg6[%dma_start3A_3, %dma_start3A_4] : memref<256x64xf32, #tpu.memory_space<vmem>> -> memref<128x64xf32, #tpu.memory_space<vmem>>
    %dma_start3A_6 = arith.constant 0 : i32
    %dma_start3A_7 = tpu.memref_slice %arg5[%dma_start3A, %dma_start3A_6] : memref<200x128xi32, #tpu.memory_space<vmem>> -> memref<1x128xi32, #tpu.memory_space<vmem>>
    %dma_start3A_8 = tpu.memref_squeeze %dma_start3A_7 : memref<1x128xi32, #tpu.memory_space<vmem>> -> memref<128xi32, #tpu.memory_space<vmem>>
    %dma_start3A_9 = arith.constant 0 : i32
    %dma_start3A_10 = arith.constant 0 : i32
    %dma_start3A_11 = tpu.memref_slice %arg2[%dma_start3A_9, %dma_start3A_10] : memref<2000000x64xf32, #tpu.memory_space<hbm>> -> memref<2000000x64xf32, #tpu.memory_space<hbm>>
    tpu.enqueue_indirect_dma source(%dma_start3A_11 : memref<2000000x64xf32, #tpu.memory_space<hbm>>) target(%dma_start3A_5 : memref<128x64xf32, #tpu.memory_space<vmem>>) offsets(%dma_start3A_8 : memref<128xi32, #tpu.memory_space<vmem>>) semaphore(%arg11 : memref<!tpu.dma_semaphore, #tpu.memory_space<semaphore_mem>>)
    %dma_start3A_12 = arith.constant 1 : i32
    %dma_start3A_13 = arith.constant 128 : i32
    %dma_start3A_14 = arith.constant 0 : i32
    %dma_start3A_15 = tpu.memref_slice %arg6[%dma_start3A_13, %dma_start3A_14] : memref<256x64xf32, #tpu.memory_space<vmem>> -> memref<128x64xf32, #tpu.memory_space<vmem>>
    %dma_start3A_16 = arith.constant 0 : i32
    %dma_start3A_17 = tpu.memref_slice %arg5[%dma_start3A_12, %dma_start3A_16] : memref<200x128xi32, #tpu.memory_space<vmem>> -> memref<1x128xi32, #tpu.memory_space<vmem>>
    %dma_start3A_18 = tpu.memref_squeeze %dma_start3A_17 : memref<1x128xi32, #tpu.memory_space<vmem>> -> memref<128xi32, #tpu.memory_space<vmem>>
    %dma_start3A_19 = arith.constant 0 : i32
    %dma_start3A_20 = arith.constant 0 : i32
    %dma_start3A_21 = tpu.memref_slice %arg2[%dma_start3A_19, %dma_start3A_20] : memref<2000000x64xf32, #tpu.memory_space<hbm>> -> memref<2000000x64xf32, #tpu.memory_space<hbm>>
    tpu.enqueue_indirect_dma source(%dma_start3A_21 : memref<2000000x64xf32, #tpu.memory_space<hbm>>) target(%dma_start3A_15 : memref<128x64xf32, #tpu.memory_space<vmem>>) offsets(%dma_start3A_18 : memref<128xi32, #tpu.memory_space<vmem>>) semaphore(%arg11 : memref<!tpu.dma_semaphore, #tpu.memory_space<semaphore_mem>>)
    %dma_start3A_22 = arith.constant 2 : i32
    %dma_start3A_23 = arith.constant 0 : i32
    %dma_start3A_24 = arith.constant 0 : i32
    %dma_start3A_25 = tpu.memref_slice %arg7[%dma_start3A_23, %dma_start3A_24] : memref<256x64xf32, #tpu.memory_space<vmem>> -> memref<128x64xf32, #tpu.memory_space<vmem>>
    %dma_start3A_26 = arith.constant 0 : i32
    %dma_start3A_27 = tpu.memref_slice %arg5[%dma_start3A_22, %dma_start3A_26] : memref<200x128xi32, #tpu.memory_space<vmem>> -> memref<1x128xi32, #tpu.memory_space<vmem>>
    %dma_start3A_28 = tpu.memref_squeeze %dma_start3A_27 : memref<1x128xi32, #tpu.memory_space<vmem>> -> memref<128xi32, #tpu.memory_space<vmem>>
    %dma_start3A_29 = arith.constant 0 : i32
    %dma_start3A_30 = arith.constant 0 : i32
    %dma_start3A_31 = tpu.memref_slice %arg2[%dma_start3A_29, %dma_start3A_30] : memref<2000000x64xf32, #tpu.memory_space<hbm>> -> memref<2000000x64xf32, #tpu.memory_space<hbm>>
    tpu.enqueue_indirect_dma source(%dma_start3A_31 : memref<2000000x64xf32, #tpu.memory_space<hbm>>) target(%dma_start3A_25 : memref<128x64xf32, #tpu.memory_space<vmem>>) offsets(%dma_start3A_28 : memref<128xi32, #tpu.memory_space<vmem>>) semaphore(%arg12 : memref<!tpu.dma_semaphore, #tpu.memory_space<semaphore_mem>>)
    %dma_start3A_32 = arith.constant 3 : i32
    %dma_start3A_33 = arith.constant 128 : i32
    %dma_start3A_34 = arith.constant 0 : i32
    %dma_start3A_35 = tpu.memref_slice %arg7[%dma_start3A_33, %dma_start3A_34] : memref<256x64xf32, #tpu.memory_space<vmem>> -> memref<128x64xf32, #tpu.memory_space<vmem>>
    %dma_start3A_36 = arith.constant 0 : i32
    %dma_start3A_37 = tpu.memref_slice %arg5[%dma_start3A_32, %dma_start3A_36] : memref<200x128xi32, #tpu.memory_space<vmem>> -> memref<1x128xi32, #tpu.memory_space<vmem>>
    %dma_start3A_38 = tpu.memref_squeeze %dma_start3A_37 : memref<1x128xi32, #tpu.memory_space<vmem>> -> memref<128xi32, #tpu.memory_space<vmem>>
    %dma_start3A_39 = arith.constant 0 : i32
    %dma_start3A_40 = arith.constant 0 : i32
    %dma_start3A_41 = tpu.memref_slice %arg2[%dma_start3A_39, %dma_start3A_40] : memref<2000000x64xf32, #tpu.memory_space<hbm>> -> memref<2000000x64xf32, #tpu.memory_space<hbm>>
    tpu.enqueue_indirect_dma source(%dma_start3A_41 : memref<2000000x64xf32, #tpu.memory_space<hbm>>) target(%dma_start3A_35 : memref<128x64xf32, #tpu.memory_space<vmem>>) offsets(%dma_start3A_38 : memref<128xi32, #tpu.memory_space<vmem>>) semaphore(%arg12 : memref<!tpu.dma_semaphore, #tpu.memory_space<semaphore_mem>>)
    %dma_start3A_42 = arith.constant 4 : i32
    %dma_start3A_43 = arith.constant 0 : i32
    %dma_start3A_44 = arith.constant 0 : i32
    %dma_start3A_45 = tpu.memref_slice %arg8[%dma_start3A_43, %dma_start3A_44] : memref<256x64xf32, #tpu.memory_space<vmem>> -> memref<128x64xf32, #tpu.memory_space<vmem>>
    %dma_start3A_46 = arith.constant 0 : i32
    %dma_start3A_47 = tpu.memref_slice %arg5[%dma_start3A_42, %dma_start3A_46] : memref<200x128xi32, #tpu.memory_space<vmem>> -> memref<1x128xi32, #tpu.memory_space<vmem>>
    %dma_start3A_48 = tpu.memref_squeeze %dma_start3A_47 : memref<1x128xi32, #tpu.memory_space<vmem>> -> memref<128xi32, #tpu.memory_space<vmem>>
    %dma_start3A_49 = arith.constant 0 : i32
    %dma_start3A_50 = arith.constant 0 : i32
    %dma_start3A_51 = tpu.memref_slice %arg2[%dma_start3A_49, %dma_start3A_50] : memref<2000000x64xf32, #tpu.memory_space<hbm>> -> memref<2000000x64xf32, #tpu.memory_space<hbm>>
    tpu.enqueue_indirect_dma source(%dma_start3A_51 : memref<2000000x64xf32, #tpu.memory_space<hbm>>) target(%dma_start3A_45 : memref<128x64xf32, #tpu.memory_space<vmem>>) offsets(%dma_start3A_48 : memref<128xi32, #tpu.memory_space<vmem>>) semaphore(%arg13 : memref<!tpu.dma_semaphore, #tpu.memory_space<semaphore_mem>>)
    %dma_start3A_52 = arith.constant 5 : i32
    %dma_start3A_53 = arith.constant 128 : i32
    %dma_start3A_54 = arith.constant 0 : i32
    %dma_start3A_55 = tpu.memref_slice %arg8[%dma_start3A_53, %dma_start3A_54] : memref<256x64xf32, #tpu.memory_space<vmem>> -> memref<128x64xf32, #tpu.memory_space<vmem>>
    %dma_start3A_56 = arith.constant 0 : i32
    %dma_start3A_57 = tpu.memref_slice %arg5[%dma_start3A_52, %dma_start3A_56] : memref<200x128xi32, #tpu.memory_space<vmem>> -> memref<1x128xi32, #tpu.memory_space<vmem>>
    %dma_start3A_58 = tpu.memref_squeeze %dma_start3A_57 : memref<1x128xi32, #tpu.memory_space<vmem>> -> memref<128xi32, #tpu.memory_space<vmem>>
    %dma_start3A_59 = arith.constant 0 : i32
    %dma_start3A_60 = arith.constant 0 : i32
    %dma_start3A_61 = tpu.memref_slice %arg2[%dma_start3A_59, %dma_start3A_60] : memref<2000000x64xf32, #tpu.memory_space<hbm>> -> memref<2000000x64xf32, #tpu.memory_space<hbm>>
    tpu.enqueue_indirect_dma source(%dma_start3A_61 : memref<2000000x64xf32, #tpu.memory_space<hbm>>) target(%dma_start3A_55 : memref<128x64xf32, #tpu.memory_space<vmem>>) offsets(%dma_start3A_58 : memref<128xi32, #tpu.memory_space<vmem>>) semaphore(%arg13 : memref<!tpu.dma_semaphore, #tpu.memory_space<semaphore_mem>>)
    %dma_start3A_62 = arith.constant 6 : i32
    %dma_start3A_63 = arith.constant 0 : i32
    %dma_start3A_64 = arith.constant 0 : i32
    %dma_start3A_65 = tpu.memref_slice %arg9[%dma_start3A_63, %dma_start3A_64] : memref<256x64xf32, #tpu.memory_space<vmem>> -> memref<128x64xf32, #tpu.memory_space<vmem>>
    %dma_start3A_66 = arith.constant 0 : i32
    %dma_start3A_67 = tpu.memref_slice %arg5[%dma_start3A_62, %dma_start3A_66] : memref<200x128xi32, #tpu.memory_space<vmem>> -> memref<1x128xi32, #tpu.memory_space<vmem>>
    %dma_start3A_68 = tpu.memref_squeeze %dma_start3A_67 : memref<1x128xi32, #tpu.memory_space<vmem>> -> memref<128xi32, #tpu.memory_space<vmem>>
    %dma_start3A_69 = arith.constant 0 : i32
    %dma_start3A_70 = arith.constant 0 : i32
    %dma_start3A_71 = tpu.memref_slice %arg2[%dma_start3A_69, %dma_start3A_70] : memref<2000000x64xf32, #tpu.memory_space<hbm>> -> memref<2000000x64xf32, #tpu.memory_space<hbm>>
    tpu.enqueue_indirect_dma source(%dma_start3A_71 : memref<2000000x64xf32, #tpu.memory_space<hbm>>) target(%dma_start3A_65 : memref<128x64xf32, #tpu.memory_space<vmem>>) offsets(%dma_start3A_68 : memref<128xi32, #tpu.memory_space<vmem>>) semaphore(%arg14 : memref<!tpu.dma_semaphore, #tpu.memory_space<semaphore_mem>>)
    %dma_start3A_72 = arith.constant 7 : i32
    %dma_start3A_73 = arith.constant 128 : i32
    %dma_start3A_74 = arith.constant 0 : i32
    %dma_start3A_75 = tpu.memref_slice %arg9[%dma_start3A_73, %dma_start3A_74] : memref<256x64xf32, #tpu.memory_space<vmem>> -> memref<128x64xf32, #tpu.memory_space<vmem>>
    %dma_start3A_76 = arith.constant 0 : i32
    %dma_start3A_77 = tpu.memref_slice %arg5[%dma_start3A_72, %dma_start3A_76] : memref<200x128xi32, #tpu.memory_space<vmem>> -> memref<1x128xi32, #tpu.memory_space<vmem>>
    %dma_start3A_78 = tpu.memref_squeeze %dma_start3A_77 : memref<1x128xi32, #tpu.memory_space<vmem>> -> memref<128xi32, #tpu.memory_space<vmem>>
    %dma_start3A_79 = arith.constant 0 : i32
    %dma_start3A_80 = arith.constant 0 : i32
    %dma_start3A_81 = tpu.memref_slice %arg2[%dma_start3A_79, %dma_start3A_80] : memref<2000000x64xf32, #tpu.memory_space<hbm>> -> memref<2000000x64xf32, #tpu.memory_space<hbm>>
    tpu.enqueue_indirect_dma source(%dma_start3A_81 : memref<2000000x64xf32, #tpu.memory_space<hbm>>) target(%dma_start3A_75 : memref<128x64xf32, #tpu.memory_space<vmem>>) offsets(%dma_start3A_78 : memref<128xi32, #tpu.memory_space<vmem>>) semaphore(%arg14 : memref<!tpu.dma_semaphore, #tpu.memory_space<semaphore_mem>>)
    %scan3A = arith.constant 0 : i32
    %scan3A_82 = arith.constant 0 : i32
    %scan3A_83 = arith.constant 20 : i32
    %scan3A_84 = arith.addi %scan3A_82, %scan3A_83 : i32
    %scan3A_85 = arith.constant 1 : i32
    scf.for %scan3A_106 = %scan3A_82 to %scan3A_84 step %scan3A_85  : i32 {
      %mul3A_107 = arith.constant 5 : i32
      %mul3A_108 = arith.muli %scan3A_106, %mul3A_107 : i32
      %add3A_109 = arith.constant 0 : i32
      %add3A_110 = arith.addi %mul3A_108, %add3A_109 : i32
      %dma_wait3A_111 = arith.constant 0 : i32
      %dma_wait3A_112 = arith.constant 0 : i32
      %dma_wait3A_113 = tpu.memref_slice %arg2[%dma_wait3A_111, %dma_wait3A_112] : memref<2000000x64xf32, #tpu.memory_space<hbm>> -> memref<256x64xf32, #tpu.memory_space<hbm>>
      %dma_wait3A_114 = arith.constant 0 : i32
      %dma_wait3A_115 = arith.constant 0 : i32
      %dma_wait3A_116 = tpu.memref_slice %arg2[%dma_wait3A_114, %dma_wait3A_115] : memref<2000000x64xf32, #tpu.memory_space<hbm>> -> memref<256x64xf32, #tpu.memory_space<hbm>>
      tpu.wait_dma2 semaphore(%arg11 : memref<!tpu.dma_semaphore, #tpu.memory_space<semaphore_mem>>) src(%dma_wait3A_116 : memref<256x64xf32, #tpu.memory_space<hbm>>) dst(%arg6 : memref<256x64xf32, #tpu.memory_space<vmem>>)
      %mul3A_117 = arith.constant 256 : i32
      %mul3A_118 = arith.muli %add3A_110, %mul3A_117 : i32
      %add3A_119 = arith.addi %mul3A_2, %mul3A_118 : i32
      %dma_start3A_120 = arith.constant 0 : i32
      %dma_start3A_121 = tpu.memref_slice %arg4[%add3A_119, %dma_start3A_120] : memref<819200x64xf32, #tpu.memory_space<hbm>> -> memref<256x64xf32, #tpu.memory_space<hbm>>
      %dma_start3A_122 = arith.constant 0 : i32
      %dma_start3A_123 = tpu.memref_slice %arg4[%add3A_119, %dma_start3A_122] : memref<819200x64xf32, #tpu.memory_space<hbm>> -> memref<256x64xf32, #tpu.memory_space<hbm>>
      tpu.enqueue_dma source(%arg6 : memref<256x64xf32, #tpu.memory_space<vmem>>) target(%dma_start3A_123 : memref<256x64xf32, #tpu.memory_space<hbm>>) target_semaphore(%arg16 : memref<!tpu.dma_semaphore, #tpu.memory_space<semaphore_mem>>)
      %gt3A = arith.constant 0 : i32
      %gt3A_124 = arith.cmpi sgt, %scan3A_106, %gt3A : i32
      %convert_element_type3A = arith.extui %gt3A_124 : i1 to i32
      %cond3A = arith.constant 0 : i32
      %cond3A_125 = arith.cmpi ne, %convert_element_type3A, %cond3A : i32
      scf.if %cond3A_125 {
        %dma_wait3A_241 = arith.constant 0 : i32
        %dma_wait3A_242 = tpu.memref_slice %arg4[%mul3A_2, %dma_wait3A_241] : memref<819200x64xf32, #tpu.memory_space<hbm>> -> memref<256x64xf32, #tpu.memory_space<hbm>>
        %dma_wait3A_243 = arith.constant 0 : i32
        %dma_wait3A_244 = tpu.memref_slice %arg4[%mul3A_2, %dma_wait3A_243] : memref<819200x64xf32, #tpu.memory_space<hbm>> -> memref<256x64xf32, #tpu.memory_space<hbm>>
        tpu.wait_dma2 semaphore(%arg20 : memref<!tpu.dma_semaphore, #tpu.memory_space<semaphore_mem>>) src(%arg10 : memref<256x64xf32, #tpu.memory_space<vmem>>) dst(%dma_wait3A_244 : memref<256x64xf32, #tpu.memory_space<hbm>>)
        %add3A_245 = arith.constant 4 : i32
        %add3A_246 = arith.addi %add3A_110, %add3A_245 : i32
        %mul3A_247 = arith.constant 2 : i32
        %mul3A_248 = arith.muli %mul3A_247, %add3A_246 : i32
        %add3A_249 = arith.constant 0 : i32
        %add3A_250 = arith.addi %mul3A_248, %add3A_249 : i32
        %dma_start3A_251 = arith.constant 0 : i32
        %dma_start3A_252 = arith.constant 0 : i32
        %dma_start3A_253 = tpu.memref_slice %arg10[%dma_start3A_251, %dma_start3A_252] : memref<256x64xf32, #tpu.memory_space<vmem>> -> memref<128x64xf32, #tpu.memory_space<vmem>>
        %dma_start3A_254 = arith.constant 0 : i32
        %dma_start3A_255 = tpu.memref_slice %arg5[%add3A_250, %dma_start3A_254] : memref<200x128xi32, #tpu.memory_space<vmem>> -> memref<1x128xi32, #tpu.memory_space<vmem>>
        %dma_start3A_256 = tpu.memref_squeeze %dma_start3A_255 : memref<1x128xi32, #tpu.memory_space<vmem>> -> memref<128xi32, #tpu.memory_space<vmem>>
        %dma_start3A_257 = arith.constant 0 : i32
        %dma_start3A_258 = arith.constant 0 : i32
        %dma_start3A_259 = tpu.memref_slice %arg2[%dma_start3A_257, %dma_start3A_258] : memref<2000000x64xf32, #tpu.memory_space<hbm>> -> memref<2000000x64xf32, #tpu.memory_space<hbm>>
        tpu.enqueue_indirect_dma source(%dma_start3A_259 : memref<2000000x64xf32, #tpu.memory_space<hbm>>) target(%dma_start3A_253 : memref<128x64xf32, #tpu.memory_space<vmem>>) offsets(%dma_start3A_256 : memref<128xi32, #tpu.memory_space<vmem>>) semaphore(%arg15 : memref<!tpu.dma_semaphore, #tpu.memory_space<semaphore_mem>>)
        %mul3A_260 = arith.constant 2 : i32
        %mul3A_261 = arith.muli %mul3A_260, %add3A_246 : i32
        %add3A_262 = arith.constant 1 : i32
        %add3A_263 = arith.addi %mul3A_261, %add3A_262 : i32
        %dma_start3A_264 = arith.constant 128 : i32
        %dma_start3A_265 = arith.constant 0 : i32
        %dma_start3A_266 = tpu.memref_slice %arg10[%dma_start3A_264, %dma_start3A_265] : memref<256x64xf32, #tpu.memory_space<vmem>> -> memref<128x64xf32, #tpu.memory_space<vmem>>
        %dma_start3A_267 = arith.constant 0 : i32
        %dma_start3A_268 = tpu.memref_slice %arg5[%add3A_263, %dma_start3A_267] : memref<200x128xi32, #tpu.memory_space<vmem>> -> memref<1x128xi32, #tpu.memory_space<vmem>>
        %dma_start3A_269 = tpu.memref_squeeze %dma_start3A_268 : memref<1x128xi32, #tpu.memory_space<vmem>> -> memref<128xi32, #tpu.memory_space<vmem>>
        %dma_start3A_270 = arith.constant 0 : i32
        %dma_start3A_271 = arith.constant 0 : i32
        %dma_start3A_272 = tpu.memref_slice %arg2[%dma_start3A_270, %dma_start3A_271] : memref<2000000x64xf32, #tpu.memory_space<hbm>> -> memref<2000000x64xf32, #tpu.memory_space<hbm>>
        tpu.enqueue_indirect_dma source(%dma_start3A_272 : memref<2000000x64xf32, #tpu.memory_space<hbm>>) target(%dma_start3A_266 : memref<128x64xf32, #tpu.memory_space<vmem>>) offsets(%dma_start3A_269 : memref<128xi32, #tpu.memory_space<vmem>>) semaphore(%arg15 : memref<!tpu.dma_semaphore, #tpu.memory_space<semaphore_mem>>)
      } else {
      }
      %eq3A = arith.constant 0 : i32
      %eq3A_126 = arith.cmpi eq, %scan3A_106, %eq3A : i32
      %convert_element_type3A_127 = arith.extui %eq3A_126 : i1 to i32
      %cond3A_128 = arith.constant 0 : i32
      %cond3A_129 = arith.cmpi ne, %convert_element_type3A_127, %cond3A_128 : i32
      scf.if %cond3A_129 {
        %add3A_241 = arith.constant 4 : i32
        %add3A_242 = arith.addi %add3A_110, %add3A_241 : i32
        %mul3A_243 = arith.constant 2 : i32
        %mul3A_244 = arith.muli %mul3A_243, %add3A_242 : i32
        %add3A_245 = arith.constant 0 : i32
        %add3A_246 = arith.addi %mul3A_244, %add3A_245 : i32
        %dma_start3A_247 = arith.constant 0 : i32
        %dma_start3A_248 = arith.constant 0 : i32
        %dma_start3A_249 = tpu.memref_slice %arg10[%dma_start3A_247, %dma_start3A_248] : memref<256x64xf32, #tpu.memory_space<vmem>> -> memref<128x64xf32, #tpu.memory_space<vmem>>
        %dma_start3A_250 = arith.constant 0 : i32
        %dma_start3A_251 = tpu.memref_slice %arg5[%add3A_246, %dma_start3A_250] : memref<200x128xi32, #tpu.memory_space<vmem>> -> memref<1x128xi32, #tpu.memory_space<vmem>>
        %dma_start3A_252 = tpu.memref_squeeze %dma_start3A_251 : memref<1x128xi32, #tpu.memory_space<vmem>> -> memref<128xi32, #tpu.memory_space<vmem>>
        %dma_start3A_253 = arith.constant 0 : i32
        %dma_start3A_254 = arith.constant 0 : i32
        %dma_start3A_255 = tpu.memref_slice %arg2[%dma_start3A_253, %dma_start3A_254] : memref<2000000x64xf32, #tpu.memory_space<hbm>> -> memref<2000000x64xf32, #tpu.memory_space<hbm>>
        tpu.enqueue_indirect_dma source(%dma_start3A_255 : memref<2000000x64xf32, #tpu.memory_space<hbm>>) target(%dma_start3A_249 : memref<128x64xf32, #tpu.memory_space<vmem>>) offsets(%dma_start3A_252 : memref<128xi32, #tpu.memory_space<vmem>>) semaphore(%arg15 : memref<!tpu.dma_semaphore, #tpu.memory_space<semaphore_mem>>)
        %mul3A_256 = arith.constant 2 : i32
        %mul3A_257 = arith.muli %mul3A_256, %add3A_242 : i32
        %add3A_258 = arith.constant 1 : i32
        %add3A_259 = arith.addi %mul3A_257, %add3A_258 : i32
        %dma_start3A_260 = arith.constant 128 : i32
        %dma_start3A_261 = arith.constant 0 : i32
        %dma_start3A_262 = tpu.memref_slice %arg10[%dma_start3A_260, %dma_start3A_261] : memref<256x64xf32, #tpu.memory_space<vmem>> -> memref<128x64xf32, #tpu.memory_space<vmem>>
        %dma_start3A_263 = arith.constant 0 : i32
        %dma_start3A_264 = tpu.memref_slice %arg5[%add3A_259, %dma_start3A_263] : memref<200x128xi32, #tpu.memory_space<vmem>> -> memref<1x128xi32, #tpu.memory_space<vmem>>
        %dma_start3A_265 = tpu.memref_squeeze %dma_start3A_264 : memref<1x128xi32, #tpu.memory_space<vmem>> -> memref<128xi32, #tpu.memory_space<vmem>>
        %dma_start3A_266 = arith.constant 0 : i32
        %dma_start3A_267 = arith.constant 0 : i32
        %dma_start3A_268 = tpu.memref_slice %arg2[%dma_start3A_266, %dma_start3A_267] : memref<2000000x64xf32, #tpu.memory_space<hbm>> -> memref<2000000x64xf32, #tpu.memory_space<hbm>>
        tpu.enqueue_indirect_dma source(%dma_start3A_268 : memref<2000000x64xf32, #tpu.memory_space<hbm>>) target(%dma_start3A_262 : memref<128x64xf32, #tpu.memory_space<vmem>>) offsets(%dma_start3A_265 : memref<128xi32, #tpu.memory_space<vmem>>) semaphore(%arg15 : memref<!tpu.dma_semaphore, #tpu.memory_space<semaphore_mem>>)
      } else {
      }
      %mul3A_130 = arith.constant 5 : i32
      %mul3A_131 = arith.muli %scan3A_106, %mul3A_130 : i32
      %add3A_132 = arith.constant 1 : i32
      %add3A_133 = arith.addi %mul3A_131, %add3A_132 : i32
      %dma_wait3A_134 = arith.constant 0 : i32
      %dma_wait3A_135 = arith.constant 0 : i32
      %dma_wait3A_136 = tpu.memref_slice %arg2[%dma_wait3A_134, %dma_wait3A_135] : memref<2000000x64xf32, #tpu.memory_space<hbm>> -> memref<256x64xf32, #tpu.memory_space<hbm>>
      %dma_wait3A_137 = arith.constant 0 : i32
      %dma_wait3A_138 = arith.constant 0 : i32
      %dma_wait3A_139 = tpu.memref_slice %arg2[%dma_wait3A_137, %dma_wait3A_138] : memref<2000000x64xf32, #tpu.memory_space<hbm>> -> memref<256x64xf32, #tpu.memory_space<hbm>>
      tpu.wait_dma2 semaphore(%arg12 : memref<!tpu.dma_semaphore, #tpu.memory_space<semaphore_mem>>) src(%dma_wait3A_139 : memref<256x64xf32, #tpu.memory_space<hbm>>) dst(%arg7 : memref<256x64xf32, #tpu.memory_space<vmem>>)
      %mul3A_140 = arith.constant 256 : i32
      %mul3A_141 = arith.muli %add3A_133, %mul3A_140 : i32
      %add3A_142 = arith.addi %mul3A_2, %mul3A_141 : i32
      %dma_start3A_143 = arith.constant 0 : i32
      %dma_start3A_144 = tpu.memref_slice %arg4[%add3A_142, %dma_start3A_143] : memref<819200x64xf32, #tpu.memory_space<hbm>> -> memref<256x64xf32, #tpu.memory_space<hbm>>
      %dma_start3A_145 = arith.constant 0 : i32
      %dma_start3A_146 = tpu.memref_slice %arg4[%add3A_142, %dma_start3A_145] : memref<819200x64xf32, #tpu.memory_space<hbm>> -> memref<256x64xf32, #tpu.memory_space<hbm>>
      tpu.enqueue_dma source(%arg7 : memref<256x64xf32, #tpu.memory_space<vmem>>) target(%dma_start3A_146 : memref<256x64xf32, #tpu.memory_space<hbm>>) target_semaphore(%arg17 : memref<!tpu.dma_semaphore, #tpu.memory_space<semaphore_mem>>)
      %mul3A_147 = arith.constant 5 : i32
      %mul3A_148 = arith.muli %scan3A_106, %mul3A_147 : i32
      %add3A_149 = arith.constant 1 : i32
      %add3A_150 = arith.addi %mul3A_148, %add3A_149 : i32
      %add3A_151 = arith.constant 4 : i32
      %add3A_152 = arith.addi %add3A_150, %add3A_151 : i32
      %lt3A = arith.constant 100 : i32
      %lt3A_153 = arith.cmpi slt, %add3A_152, %lt3A : i32
      %convert_element_type3A_154 = arith.extui %lt3A_153 : i1 to i32
      %cond3A_155 = arith.constant 0 : i32
      %cond3A_156 = arith.cmpi ne, %convert_element_type3A_154, %cond3A_155 : i32
      scf.if %cond3A_156 {
        %dma_wait3A_241 = arith.constant 0 : i32
        %dma_wait3A_242 = tpu.memref_slice %arg4[%mul3A_2, %dma_wait3A_241] : memref<819200x64xf32, #tpu.memory_space<hbm>> -> memref<256x64xf32, #tpu.memory_space<hbm>>
        %dma_wait3A_243 = arith.constant 0 : i32
        %dma_wait3A_244 = tpu.memref_slice %arg4[%mul3A_2, %dma_wait3A_243] : memref<819200x64xf32, #tpu.memory_space<hbm>> -> memref<256x64xf32, #tpu.memory_space<hbm>>
        tpu.wait_dma2 semaphore(%arg16 : memref<!tpu.dma_semaphore, #tpu.memory_space<semaphore_mem>>) src(%arg6 : memref<256x64xf32, #tpu.memory_space<vmem>>) dst(%dma_wait3A_244 : memref<256x64xf32, #tpu.memory_space<hbm>>)
        %add3A_245 = arith.constant 4 : i32
        %add3A_246 = arith.addi %add3A_133, %add3A_245 : i32
        %mul3A_247 = arith.constant 2 : i32
        %mul3A_248 = arith.muli %mul3A_247, %add3A_246 : i32
        %add3A_249 = arith.constant 0 : i32
        %add3A_250 = arith.addi %mul3A_248, %add3A_249 : i32
        %dma_start3A_251 = arith.constant 0 : i32
        %dma_start3A_252 = arith.constant 0 : i32
        %dma_start3A_253 = tpu.memref_slice %arg6[%dma_start3A_251, %dma_start3A_252] : memref<256x64xf32, #tpu.memory_space<vmem>> -> memref<128x64xf32, #tpu.memory_space<vmem>>
        %dma_start3A_254 = arith.constant 0 : i32
        %dma_start3A_255 = tpu.memref_slice %arg5[%add3A_250, %dma_start3A_254] : memref<200x128xi32, #tpu.memory_space<vmem>> -> memref<1x128xi32, #tpu.memory_space<vmem>>
        %dma_start3A_256 = tpu.memref_squeeze %dma_start3A_255 : memref<1x128xi32, #tpu.memory_space<vmem>> -> memref<128xi32, #tpu.memory_space<vmem>>
        %dma_start3A_257 = arith.constant 0 : i32
        %dma_start3A_258 = arith.constant 0 : i32
        %dma_start3A_259 = tpu.memref_slice %arg2[%dma_start3A_257, %dma_start3A_258] : memref<2000000x64xf32, #tpu.memory_space<hbm>> -> memref<2000000x64xf32, #tpu.memory_space<hbm>>
        tpu.enqueue_indirect_dma source(%dma_start3A_259 : memref<2000000x64xf32, #tpu.memory_space<hbm>>) target(%dma_start3A_253 : memref<128x64xf32, #tpu.memory_space<vmem>>) offsets(%dma_start3A_256 : memref<128xi32, #tpu.memory_space<vmem>>) semaphore(%arg11 : memref<!tpu.dma_semaphore, #tpu.memory_space<semaphore_mem>>)
        %mul3A_260 = arith.constant 2 : i32
        %mul3A_261 = arith.muli %mul3A_260, %add3A_246 : i32
        %add3A_262 = arith.constant 1 : i32
        %add3A_263 = arith.addi %mul3A_261, %add3A_262 : i32
        %dma_start3A_264 = arith.constant 128 : i32
        %dma_start3A_265 = arith.constant 0 : i32
        %dma_start3A_266 = tpu.memref_slice %arg6[%dma_start3A_264, %dma_start3A_265] : memref<256x64xf32, #tpu.memory_space<vmem>> -> memref<128x64xf32, #tpu.memory_space<vmem>>
        %dma_start3A_267 = arith.constant 0 : i32
        %dma_start3A_268 = tpu.memref_slice %arg5[%add3A_263, %dma_start3A_267] : memref<200x128xi32, #tpu.memory_space<vmem>> -> memref<1x128xi32, #tpu.memory_space<vmem>>
        %dma_start3A_269 = tpu.memref_squeeze %dma_start3A_268 : memref<1x128xi32, #tpu.memory_space<vmem>> -> memref<128xi32, #tpu.memory_space<vmem>>
        %dma_start3A_270 = arith.constant 0 : i32
        %dma_start3A_271 = arith.constant 0 : i32
        %dma_start3A_272 = tpu.memref_slice %arg2[%dma_start3A_270, %dma_start3A_271] : memref<2000000x64xf32, #tpu.memory_space<hbm>> -> memref<2000000x64xf32, #tpu.memory_space<hbm>>
        tpu.enqueue_indirect_dma source(%dma_start3A_272 : memref<2000000x64xf32, #tpu.memory_space<hbm>>) target(%dma_start3A_266 : memref<128x64xf32, #tpu.memory_space<vmem>>) offsets(%dma_start3A_269 : memref<128xi32, #tpu.memory_space<vmem>>) semaphore(%arg11 : memref<!tpu.dma_semaphore, #tpu.memory_space<semaphore_mem>>)
      } else {
      }
      %mul3A_157 = arith.constant 5 : i32
      %mul3A_158 = arith.muli %scan3A_106, %mul3A_157 : i32
      %add3A_159 = arith.constant 2 : i32
      %add3A_160 = arith.addi %mul3A_158, %add3A_159 : i32
      %dma_wait3A_161 = arith.constant 0 : i32
      %dma_wait3A_162 = arith.constant 0 : i32
      %dma_wait3A_163 = tpu.memref_slice %arg2[%dma_wait3A_161, %dma_wait3A_162] : memref<2000000x64xf32, #tpu.memory_space<hbm>> -> memref<256x64xf32, #tpu.memory_space<hbm>>
      %dma_wait3A_164 = arith.constant 0 : i32
      %dma_wait3A_165 = arith.constant 0 : i32
      %dma_wait3A_166 = tpu.memref_slice %arg2[%dma_wait3A_164, %dma_wait3A_165] : memref<2000000x64xf32, #tpu.memory_space<hbm>> -> memref<256x64xf32, #tpu.memory_space<hbm>>
      tpu.wait_dma2 semaphore(%arg13 : memref<!tpu.dma_semaphore, #tpu.memory_space<semaphore_mem>>) src(%dma_wait3A_166 : memref<256x64xf32, #tpu.memory_space<hbm>>) dst(%arg8 : memref<256x64xf32, #tpu.memory_space<vmem>>)
      %mul3A_167 = arith.constant 256 : i32
      %mul3A_168 = arith.muli %add3A_160, %mul3A_167 : i32
      %add3A_169 = arith.addi %mul3A_2, %mul3A_168 : i32
      %dma_start3A_170 = arith.constant 0 : i32
      %dma_start3A_171 = tpu.memref_slice %arg4[%add3A_169, %dma_start3A_170] : memref<819200x64xf32, #tpu.memory_space<hbm>> -> memref<256x64xf32, #tpu.memory_space<hbm>>
      %dma_start3A_172 = arith.constant 0 : i32
      %dma_start3A_173 = tpu.memref_slice %arg4[%add3A_169, %dma_start3A_172] : memref<819200x64xf32, #tpu.memory_space<hbm>> -> memref<256x64xf32, #tpu.memory_space<hbm>>
      tpu.enqueue_dma source(%arg8 : memref<256x64xf32, #tpu.memory_space<vmem>>) target(%dma_start3A_173 : memref<256x64xf32, #tpu.memory_space<hbm>>) target_semaphore(%arg18 : memref<!tpu.dma_semaphore, #tpu.memory_space<semaphore_mem>>)
      %mul3A_174 = arith.constant 5 : i32
      %mul3A_175 = arith.muli %scan3A_106, %mul3A_174 : i32
      %add3A_176 = arith.constant 2 : i32
      %add3A_177 = arith.addi %mul3A_175, %add3A_176 : i32
      %add3A_178 = arith.constant 4 : i32
      %add3A_179 = arith.addi %add3A_177, %add3A_178 : i32
      %lt3A_180 = arith.constant 100 : i32
      %lt3A_181 = arith.cmpi slt, %add3A_179, %lt3A_180 : i32
      %convert_element_type3A_182 = arith.extui %lt3A_181 : i1 to i32
      %cond3A_183 = arith.constant 0 : i32
      %cond3A_184 = arith.cmpi ne, %convert_element_type3A_182, %cond3A_183 : i32
      scf.if %cond3A_184 {
        %dma_wait3A_241 = arith.constant 0 : i32
        %dma_wait3A_242 = tpu.memref_slice %arg4[%mul3A_2, %dma_wait3A_241] : memref<819200x64xf32, #tpu.memory_space<hbm>> -> memref<256x64xf32, #tpu.memory_space<hbm>>
        %dma_wait3A_243 = arith.constant 0 : i32
        %dma_wait3A_244 = tpu.memref_slice %arg4[%mul3A_2, %dma_wait3A_243] : memref<819200x64xf32, #tpu.memory_space<hbm>> -> memref<256x64xf32, #tpu.memory_space<hbm>>
        tpu.wait_dma2 semaphore(%arg17 : memref<!tpu.dma_semaphore, #tpu.memory_space<semaphore_mem>>) src(%arg7 : memref<256x64xf32, #tpu.memory_space<vmem>>) dst(%dma_wait3A_244 : memref<256x64xf32, #tpu.memory_space<hbm>>)
        %add3A_245 = arith.constant 4 : i32
        %add3A_246 = arith.addi %add3A_160, %add3A_245 : i32
        %mul3A_247 = arith.constant 2 : i32
        %mul3A_248 = arith.muli %mul3A_247, %add3A_246 : i32
        %add3A_249 = arith.constant 0 : i32
        %add3A_250 = arith.addi %mul3A_248, %add3A_249 : i32
        %dma_start3A_251 = arith.constant 0 : i32
        %dma_start3A_252 = arith.constant 0 : i32
        %dma_start3A_253 = tpu.memref_slice %arg7[%dma_start3A_251, %dma_start3A_252] : memref<256x64xf32, #tpu.memory_space<vmem>> -> memref<128x64xf32, #tpu.memory_space<vmem>>
        %dma_start3A_254 = arith.constant 0 : i32
        %dma_start3A_255 = tpu.memref_slice %arg5[%add3A_250, %dma_start3A_254] : memref<200x128xi32, #tpu.memory_space<vmem>> -> memref<1x128xi32, #tpu.memory_space<vmem>>
        %dma_start3A_256 = tpu.memref_squeeze %dma_start3A_255 : memref<1x128xi32, #tpu.memory_space<vmem>> -> memref<128xi32, #tpu.memory_space<vmem>>
        %dma_start3A_257 = arith.constant 0 : i32
        %dma_start3A_258 = arith.constant 0 : i32
        %dma_start3A_259 = tpu.memref_slice %arg2[%dma_start3A_257, %dma_start3A_258] : memref<2000000x64xf32, #tpu.memory_space<hbm>> -> memref<2000000x64xf32, #tpu.memory_space<hbm>>
        tpu.enqueue_indirect_dma source(%dma_start3A_259 : memref<2000000x64xf32, #tpu.memory_space<hbm>>) target(%dma_start3A_253 : memref<128x64xf32, #tpu.memory_space<vmem>>) offsets(%dma_start3A_256 : memref<128xi32, #tpu.memory_space<vmem>>) semaphore(%arg12 : memref<!tpu.dma_semaphore, #tpu.memory_space<semaphore_mem>>)
        %mul3A_260 = arith.constant 2 : i32
        %mul3A_261 = arith.muli %mul3A_260, %add3A_246 : i32
        %add3A_262 = arith.constant 1 : i32
        %add3A_263 = arith.addi %mul3A_261, %add3A_262 : i32
        %dma_start3A_264 = arith.constant 128 : i32
        %dma_start3A_265 = arith.constant 0 : i32
        %dma_start3A_266 = tpu.memref_slice %arg7[%dma_start3A_264, %dma_start3A_265] : memref<256x64xf32, #tpu.memory_space<vmem>> -> memref<128x64xf32, #tpu.memory_space<vmem>>
        %dma_start3A_267 = arith.constant 0 : i32
        %dma_start3A_268 = tpu.memref_slice %arg5[%add3A_263, %dma_start3A_267] : memref<200x128xi32, #tpu.memory_space<vmem>> -> memref<1x128xi32, #tpu.memory_space<vmem>>
        %dma_start3A_269 = tpu.memref_squeeze %dma_start3A_268 : memref<1x128xi32, #tpu.memory_space<vmem>> -> memref<128xi32, #tpu.memory_space<vmem>>
        %dma_start3A_270 = arith.constant 0 : i32
        %dma_start3A_271 = arith.constant 0 : i32
        %dma_start3A_272 = tpu.memref_slice %arg2[%dma_start3A_270, %dma_start3A_271] : memref<2000000x64xf32, #tpu.memory_space<hbm>> -> memref<2000000x64xf32, #tpu.memory_space<hbm>>
        tpu.enqueue_indirect_dma source(%dma_start3A_272 : memref<2000000x64xf32, #tpu.memory_space<hbm>>) target(%dma_start3A_266 : memref<128x64xf32, #tpu.memory_space<vmem>>) offsets(%dma_start3A_269 : memref<128xi32, #tpu.memory_space<vmem>>) semaphore(%arg12 : memref<!tpu.dma_semaphore, #tpu.memory_space<semaphore_mem>>)
      } else {
      }
      %mul3A_185 = arith.constant 5 : i32
      %mul3A_186 = arith.muli %scan3A_106, %mul3A_185 : i32
      %add3A_187 = arith.constant 3 : i32
      %add3A_188 = arith.addi %mul3A_186, %add3A_187 : i32
      %dma_wait3A_189 = arith.constant 0 : i32
      %dma_wait3A_190 = arith.constant 0 : i32
      %dma_wait3A_191 = tpu.memref_slice %arg2[%dma_wait3A_189, %dma_wait3A_190] : memref<2000000x64xf32, #tpu.memory_space<hbm>> -> memref<256x64xf32, #tpu.memory_space<hbm>>
      %dma_wait3A_192 = arith.constant 0 : i32
      %dma_wait3A_193 = arith.constant 0 : i32
      %dma_wait3A_194 = tpu.memref_slice %arg2[%dma_wait3A_192, %dma_wait3A_193] : memref<2000000x64xf32, #tpu.memory_space<hbm>> -> memref<256x64xf32, #tpu.memory_space<hbm>>
      tpu.wait_dma2 semaphore(%arg14 : memref<!tpu.dma_semaphore, #tpu.memory_space<semaphore_mem>>) src(%dma_wait3A_194 : memref<256x64xf32, #tpu.memory_space<hbm>>) dst(%arg9 : memref<256x64xf32, #tpu.memory_space<vmem>>)
      %mul3A_195 = arith.constant 256 : i32
      %mul3A_196 = arith.muli %add3A_188, %mul3A_195 : i32
      %add3A_197 = arith.addi %mul3A_2, %mul3A_196 : i32
      %dma_start3A_198 = arith.constant 0 : i32
      %dma_start3A_199 = tpu.memref_slice %arg4[%add3A_197, %dma_start3A_198] : memref<819200x64xf32, #tpu.memory_space<hbm>> -> memref<256x64xf32, #tpu.memory_space<hbm>>
      %dma_start3A_200 = arith.constant 0 : i32
      %dma_start3A_201 = tpu.memref_slice %arg4[%add3A_197, %dma_start3A_200] : memref<819200x64xf32, #tpu.memory_space<hbm>> -> memref<256x64xf32, #tpu.memory_space<hbm>>
      tpu.enqueue_dma source(%arg9 : memref<256x64xf32, #tpu.memory_space<vmem>>) target(%dma_start3A_201 : memref<256x64xf32, #tpu.memory_space<hbm>>) target_semaphore(%arg19 : memref<!tpu.dma_semaphore, #tpu.memory_space<semaphore_mem>>)
      %mul3A_202 = arith.constant 5 : i32
      %mul3A_203 = arith.muli %scan3A_106, %mul3A_202 : i32
      %add3A_204 = arith.constant 3 : i32
      %add3A_205 = arith.addi %mul3A_203, %add3A_204 : i32
      %add3A_206 = arith.constant 4 : i32
      %add3A_207 = arith.addi %add3A_205, %add3A_206 : i32
      %lt3A_208 = arith.constant 100 : i32
      %lt3A_209 = arith.cmpi slt, %add3A_207, %lt3A_208 : i32
      %convert_element_type3A_210 = arith.extui %lt3A_209 : i1 to i32
      %cond3A_211 = arith.constant 0 : i32
      %cond3A_212 = arith.cmpi ne, %convert_element_type3A_210, %cond3A_211 : i32
      scf.if %cond3A_212 {
        %dma_wait3A_241 = arith.constant 0 : i32
        %dma_wait3A_242 = tpu.memref_slice %arg4[%mul3A_2, %dma_wait3A_241] : memref<819200x64xf32, #tpu.memory_space<hbm>> -> memref<256x64xf32, #tpu.memory_space<hbm>>
        %dma_wait3A_243 = arith.constant 0 : i32
        %dma_wait3A_244 = tpu.memref_slice %arg4[%mul3A_2, %dma_wait3A_243] : memref<819200x64xf32, #tpu.memory_space<hbm>> -> memref<256x64xf32, #tpu.memory_space<hbm>>
        tpu.wait_dma2 semaphore(%arg18 : memref<!tpu.dma_semaphore, #tpu.memory_space<semaphore_mem>>) src(%arg8 : memref<256x64xf32, #tpu.memory_space<vmem>>) dst(%dma_wait3A_244 : memref<256x64xf32, #tpu.memory_space<hbm>>)
        %add3A_245 = arith.constant 4 : i32
        %add3A_246 = arith.addi %add3A_188, %add3A_245 : i32
        %mul3A_247 = arith.constant 2 : i32
        %mul3A_248 = arith.muli %mul3A_247, %add3A_246 : i32
        %add3A_249 = arith.constant 0 : i32
        %add3A_250 = arith.addi %mul3A_248, %add3A_249 : i32
        %dma_start3A_251 = arith.constant 0 : i32
        %dma_start3A_252 = arith.constant 0 : i32
        %dma_start3A_253 = tpu.memref_slice %arg8[%dma_start3A_251, %dma_start3A_252] : memref<256x64xf32, #tpu.memory_space<vmem>> -> memref<128x64xf32, #tpu.memory_space<vmem>>
        %dma_start3A_254 = arith.constant 0 : i32
        %dma_start3A_255 = tpu.memref_slice %arg5[%add3A_250, %dma_start3A_254] : memref<200x128xi32, #tpu.memory_space<vmem>> -> memref<1x128xi32, #tpu.memory_space<vmem>>
        %dma_start3A_256 = tpu.memref_squeeze %dma_start3A_255 : memref<1x128xi32, #tpu.memory_space<vmem>> -> memref<128xi32, #tpu.memory_space<vmem>>
        %dma_start3A_257 = arith.constant 0 : i32
        %dma_start3A_258 = arith.constant 0 : i32
        %dma_start3A_259 = tpu.memref_slice %arg2[%dma_start3A_257, %dma_start3A_258] : memref<2000000x64xf32, #tpu.memory_space<hbm>> -> memref<2000000x64xf32, #tpu.memory_space<hbm>>
        tpu.enqueue_indirect_dma source(%dma_start3A_259 : memref<2000000x64xf32, #tpu.memory_space<hbm>>) target(%dma_start3A_253 : memref<128x64xf32, #tpu.memory_space<vmem>>) offsets(%dma_start3A_256 : memref<128xi32, #tpu.memory_space<vmem>>) semaphore(%arg13 : memref<!tpu.dma_semaphore, #tpu.memory_space<semaphore_mem>>)
        %mul3A_260 = arith.constant 2 : i32
        %mul3A_261 = arith.muli %mul3A_260, %add3A_246 : i32
        %add3A_262 = arith.constant 1 : i32
        %add3A_263 = arith.addi %mul3A_261, %add3A_262 : i32
        %dma_start3A_264 = arith.constant 128 : i32
        %dma_start3A_265 = arith.constant 0 : i32
        %dma_start3A_266 = tpu.memref_slice %arg8[%dma_start3A_264, %dma_start3A_265] : memref<256x64xf32, #tpu.memory_space<vmem>> -> memref<128x64xf32, #tpu.memory_space<vmem>>
        %dma_start3A_267 = arith.constant 0 : i32
        %dma_start3A_268 = tpu.memref_slice %arg5[%add3A_263, %dma_start3A_267] : memref<200x128xi32, #tpu.memory_space<vmem>> -> memref<1x128xi32, #tpu.memory_space<vmem>>
        %dma_start3A_269 = tpu.memref_squeeze %dma_start3A_268 : memref<1x128xi32, #tpu.memory_space<vmem>> -> memref<128xi32, #tpu.memory_space<vmem>>
        %dma_start3A_270 = arith.constant 0 : i32
        %dma_start3A_271 = arith.constant 0 : i32
        %dma_start3A_272 = tpu.memref_slice %arg2[%dma_start3A_270, %dma_start3A_271] : memref<2000000x64xf32, #tpu.memory_space<hbm>> -> memref<2000000x64xf32, #tpu.memory_space<hbm>>
        tpu.enqueue_indirect_dma source(%dma_start3A_272 : memref<2000000x64xf32, #tpu.memory_space<hbm>>) target(%dma_start3A_266 : memref<128x64xf32, #tpu.memory_space<vmem>>) offsets(%dma_start3A_269 : memref<128xi32, #tpu.memory_space<vmem>>) semaphore(%arg13 : memref<!tpu.dma_semaphore, #tpu.memory_space<semaphore_mem>>)
      } else {
      }
      %mul3A_213 = arith.constant 5 : i32
      %mul3A_214 = arith.muli %scan3A_106, %mul3A_213 : i32
      %add3A_215 = arith.constant 4 : i32
      %add3A_216 = arith.addi %mul3A_214, %add3A_215 : i32
      %dma_wait3A_217 = arith.constant 0 : i32
      %dma_wait3A_218 = arith.constant 0 : i32
      %dma_wait3A_219 = tpu.memref_slice %arg2[%dma_wait3A_217, %dma_wait3A_218] : memref<2000000x64xf32, #tpu.memory_space<hbm>> -> memref<256x64xf32, #tpu.memory_space<hbm>>
      %dma_wait3A_220 = arith.constant 0 : i32
      %dma_wait3A_221 = arith.constant 0 : i32
      %dma_wait3A_222 = tpu.memref_slice %arg2[%dma_wait3A_220, %dma_wait3A_221] : memref<2000000x64xf32, #tpu.memory_space<hbm>> -> memref<256x64xf32, #tpu.memory_space<hbm>>
      tpu.wait_dma2 semaphore(%arg15 : memref<!tpu.dma_semaphore, #tpu.memory_space<semaphore_mem>>) src(%dma_wait3A_222 : memref<256x64xf32, #tpu.memory_space<hbm>>) dst(%arg10 : memref<256x64xf32, #tpu.memory_space<vmem>>)
      %mul3A_223 = arith.constant 256 : i32
      %mul3A_224 = arith.muli %add3A_216, %mul3A_223 : i32
      %add3A_225 = arith.addi %mul3A_2, %mul3A_224 : i32
      %dma_start3A_226 = arith.constant 0 : i32
      %dma_start3A_227 = tpu.memref_slice %arg4[%add3A_225, %dma_start3A_226] : memref<819200x64xf32, #tpu.memory_space<hbm>> -> memref<256x64xf32, #tpu.memory_space<hbm>>
      %dma_start3A_228 = arith.constant 0 : i32
      %dma_start3A_229 = tpu.memref_slice %arg4[%add3A_225, %dma_start3A_228] : memref<819200x64xf32, #tpu.memory_space<hbm>> -> memref<256x64xf32, #tpu.memory_space<hbm>>
      tpu.enqueue_dma source(%arg10 : memref<256x64xf32, #tpu.memory_space<vmem>>) target(%dma_start3A_229 : memref<256x64xf32, #tpu.memory_space<hbm>>) target_semaphore(%arg20 : memref<!tpu.dma_semaphore, #tpu.memory_space<semaphore_mem>>)
      %mul3A_230 = arith.constant 5 : i32
      %mul3A_231 = arith.muli %scan3A_106, %mul3A_230 : i32
      %add3A_232 = arith.constant 4 : i32
      %add3A_233 = arith.addi %mul3A_231, %add3A_232 : i32
      %add3A_234 = arith.constant 4 : i32
      %add3A_235 = arith.addi %add3A_233, %add3A_234 : i32
      %lt3A_236 = arith.constant 100 : i32
      %lt3A_237 = arith.cmpi slt, %add3A_235, %lt3A_236 : i32
      %convert_element_type3A_238 = arith.extui %lt3A_237 : i1 to i32
      %cond3A_239 = arith.constant 0 : i32
      %cond3A_240 = arith.cmpi ne, %convert_element_type3A_238, %cond3A_239 : i32
      scf.if %cond3A_240 {
        %dma_wait3A_241 = arith.constant 0 : i32
        %dma_wait3A_242 = tpu.memref_slice %arg4[%mul3A_2, %dma_wait3A_241] : memref<819200x64xf32, #tpu.memory_space<hbm>> -> memref<256x64xf32, #tpu.memory_space<hbm>>
        %dma_wait3A_243 = arith.constant 0 : i32
        %dma_wait3A_244 = tpu.memref_slice %arg4[%mul3A_2, %dma_wait3A_243] : memref<819200x64xf32, #tpu.memory_space<hbm>> -> memref<256x64xf32, #tpu.memory_space<hbm>>
        tpu.wait_dma2 semaphore(%arg19 : memref<!tpu.dma_semaphore, #tpu.memory_space<semaphore_mem>>) src(%arg9 : memref<256x64xf32, #tpu.memory_space<vmem>>) dst(%dma_wait3A_244 : memref<256x64xf32, #tpu.memory_space<hbm>>)
        %add3A_245 = arith.constant 4 : i32
        %add3A_246 = arith.addi %add3A_216, %add3A_245 : i32
        %mul3A_247 = arith.constant 2 : i32
        %mul3A_248 = arith.muli %mul3A_247, %add3A_246 : i32
        %add3A_249 = arith.constant 0 : i32
        %add3A_250 = arith.addi %mul3A_248, %add3A_249 : i32
        %dma_start3A_251 = arith.constant 0 : i32
        %dma_start3A_252 = arith.constant 0 : i32
        %dma_start3A_253 = tpu.memref_slice %arg9[%dma_start3A_251, %dma_start3A_252] : memref<256x64xf32, #tpu.memory_space<vmem>> -> memref<128x64xf32, #tpu.memory_space<vmem>>
        %dma_start3A_254 = arith.constant 0 : i32
        %dma_start3A_255 = tpu.memref_slice %arg5[%add3A_250, %dma_start3A_254] : memref<200x128xi32, #tpu.memory_space<vmem>> -> memref<1x128xi32, #tpu.memory_space<vmem>>
        %dma_start3A_256 = tpu.memref_squeeze %dma_start3A_255 : memref<1x128xi32, #tpu.memory_space<vmem>> -> memref<128xi32, #tpu.memory_space<vmem>>
        %dma_start3A_257 = arith.constant 0 : i32
        %dma_start3A_258 = arith.constant 0 : i32
        %dma_start3A_259 = tpu.memref_slice %arg2[%dma_start3A_257, %dma_start3A_258] : memref<2000000x64xf32, #tpu.memory_space<hbm>> -> memref<2000000x64xf32, #tpu.memory_space<hbm>>
        tpu.enqueue_indirect_dma source(%dma_start3A_259 : memref<2000000x64xf32, #tpu.memory_space<hbm>>) target(%dma_start3A_253 : memref<128x64xf32, #tpu.memory_space<vmem>>) offsets(%dma_start3A_256 : memref<128xi32, #tpu.memory_space<vmem>>) semaphore(%arg14 : memref<!tpu.dma_semaphore, #tpu.memory_space<semaphore_mem>>)
        %mul3A_260 = arith.constant 2 : i32
        %mul3A_261 = arith.muli %mul3A_260, %add3A_246 : i32
        %add3A_262 = arith.constant 1 : i32
        %add3A_263 = arith.addi %mul3A_261, %add3A_262 : i32
        %dma_start3A_264 = arith.constant 128 : i32
        %dma_start3A_265 = arith.constant 0 : i32
        %dma_start3A_266 = tpu.memref_slice %arg9[%dma_start3A_264, %dma_start3A_265] : memref<256x64xf32, #tpu.memory_space<vmem>> -> memref<128x64xf32, #tpu.memory_space<vmem>>
        %dma_start3A_267 = arith.constant 0 : i32
        %dma_start3A_268 = tpu.memref_slice %arg5[%add3A_263, %dma_start3A_267] : memref<200x128xi32, #tpu.memory_space<vmem>> -> memref<1x128xi32, #tpu.memory_space<vmem>>
        %dma_start3A_269 = tpu.memref_squeeze %dma_start3A_268 : memref<1x128xi32, #tpu.memory_space<vmem>> -> memref<128xi32, #tpu.memory_space<vmem>>
        %dma_start3A_270 = arith.constant 0 : i32
        %dma_start3A_271 = arith.constant 0 : i32
        %dma_start3A_272 = tpu.memref_slice %arg2[%dma_start3A_270, %dma_start3A_271] : memref<2000000x64xf32, #tpu.memory_space<hbm>> -> memref<2000000x64xf32, #tpu.memory_space<hbm>>
        tpu.enqueue_indirect_dma source(%dma_start3A_272 : memref<2000000x64xf32, #tpu.memory_space<hbm>>) target(%dma_start3A_266 : memref<128x64xf32, #tpu.memory_space<vmem>>) offsets(%dma_start3A_269 : memref<128xi32, #tpu.memory_space<vmem>>) semaphore(%arg14 : memref<!tpu.dma_semaphore, #tpu.memory_space<semaphore_mem>>)
      } else {
      }
    }
    %scan3A_86 = arith.constant 20 : i32
    %dma_wait3A = arith.constant 0 : i32
    %dma_wait3A_87 = tpu.memref_slice %arg4[%mul3A_2, %dma_wait3A] : memref<819200x64xf32, #tpu.memory_space<hbm>> -> memref<256x64xf32, #tpu.memory_space<hbm>>
    %dma_wait3A_88 = arith.constant 0 : i32
    %dma_wait3A_89 = tpu.memref_slice %arg4[%mul3A_2, %dma_wait3A_88] : memref<819200x64xf32, #tpu.memory_space<hbm>> -> memref<256x64xf32, #tpu.memory_space<hbm>>
    tpu.wait_dma2 semaphore(%arg16 : memref<!tpu.dma_semaphore, #tpu.memory_space<semaphore_mem>>) src(%arg6 : memref<256x64xf32, #tpu.memory_space<vmem>>) dst(%dma_wait3A_89 : memref<256x64xf32, #tpu.memory_space<hbm>>)
    %dma_wait3A_90 = arith.constant 0 : i32
    %dma_wait3A_91 = tpu.memref_slice %arg4[%mul3A_2, %dma_wait3A_90] : memref<819200x64xf32, #tpu.memory_space<hbm>> -> memref<256x64xf32, #tpu.memory_space<hbm>>
    %dma_wait3A_92 = arith.constant 0 : i32
    %dma_wait3A_93 = tpu.memref_slice %arg4[%mul3A_2, %dma_wait3A_92] : memref<819200x64xf32, #tpu.memory_space<hbm>> -> memref<256x64xf32, #tpu.memory_space<hbm>>
    tpu.wait_dma2 semaphore(%arg17 : memref<!tpu.dma_semaphore, #tpu.memory_space<semaphore_mem>>) src(%arg7 : memref<256x64xf32, #tpu.memory_space<vmem>>) dst(%dma_wait3A_93 : memref<256x64xf32, #tpu.memory_space<hbm>>)
    %dma_wait3A_94 = arith.constant 0 : i32
    %dma_wait3A_95 = tpu.memref_slice %arg4[%mul3A_2, %dma_wait3A_94] : memref<819200x64xf32, #tpu.memory_space<hbm>> -> memref<256x64xf32, #tpu.memory_space<hbm>>
    %dma_wait3A_96 = arith.constant 0 : i32
    %dma_wait3A_97 = tpu.memref_slice %arg4[%mul3A_2, %dma_wait3A_96] : memref<819200x64xf32, #tpu.memory_space<hbm>> -> memref<256x64xf32, #tpu.memory_space<hbm>>
    tpu.wait_dma2 semaphore(%arg18 : memref<!tpu.dma_semaphore, #tpu.memory_space<semaphore_mem>>) src(%arg8 : memref<256x64xf32, #tpu.memory_space<vmem>>) dst(%dma_wait3A_97 : memref<256x64xf32, #tpu.memory_space<hbm>>)
    %dma_wait3A_98 = arith.constant 0 : i32
    %dma_wait3A_99 = tpu.memref_slice %arg4[%mul3A_2, %dma_wait3A_98] : memref<819200x64xf32, #tpu.memory_space<hbm>> -> memref<256x64xf32, #tpu.memory_space<hbm>>
    %dma_wait3A_100 = arith.constant 0 : i32
    %dma_wait3A_101 = tpu.memref_slice %arg4[%mul3A_2, %dma_wait3A_100] : memref<819200x64xf32, #tpu.memory_space<hbm>> -> memref<256x64xf32, #tpu.memory_space<hbm>>
    tpu.wait_dma2 semaphore(%arg19 : memref<!tpu.dma_semaphore, #tpu.memory_space<semaphore_mem>>) src(%arg9 : memref<256x64xf32, #tpu.memory_space<vmem>>) dst(%dma_wait3A_101 : memref<256x64xf32, #tpu.memory_space<hbm>>)
    %dma_wait3A_102 = arith.constant 0 : i32
    %dma_wait3A_103 = tpu.memref_slice %arg4[%mul3A_2, %dma_wait3A_102] : memref<819200x64xf32, #tpu.memory_space<hbm>> -> memref<256x64xf32, #tpu.memory_space<hbm>>
    %dma_wait3A_104 = arith.constant 0 : i32
    %dma_wait3A_105 = tpu.memref_slice %arg4[%mul3A_2, %dma_wait3A_104] : memref<819200x64xf32, #tpu.memory_space<hbm>> -> memref<256x64xf32, #tpu.memory_space<hbm>>
    tpu.wait_dma2 semaphore(%arg20 : memref<!tpu.dma_semaphore, #tpu.memory_space<semaphore_mem>>) src(%arg10 : memref<256x64xf32, #tpu.memory_space<vmem>>) dst(%dma_wait3A_105 : memref<256x64xf32, #tpu.memory_space<hbm>>)
    return
  }
}

</mosaic_0001>

<sc_bundles>
// kernel: kernel.3.cloned.1.call-start
scs
__scs_entry_jumppad:
0x0: {  	(pc) =	sbr.rel $0x88, $3  }
0x1: {  	(tag) =	ssettag $0x0;
	lr =	simm.s32 $0x1  }
0x2: {  	[smem:$0x3F9F] =	sst lr;
	_ =	strace $0xD0000000  }
0x3: {  	_ = 	snop  }
0x4: {  	_ = 	snop  }
0x5: {  	_ = 	snop  }
0x6: {  	_ = 	snop  }
0x7: {  	_ = 	snop  }
__scs_overlays_trampoline_lowered:
0x8: {  	[smem:$0x3FAE] =	sst s0  }
0x9: {  	[smem:$0x3FAF] =	sst s1  }
0xa: {  	[smem:$0x3FB0] =	sst s2  }
0xb: {  	[smem:$0x3FB1] =	sst s3  }
0xc: {  	[smem:$0x3FB2] =	sst s4  }
0xd: {  	[smem:$0x3FB3] =	sst s5  }
0xe: {  	[smem:$0x3FB4] =	sst s6  }
0xf: {  	[smem:$0x3FB5] =	sst s7  }
0x10: {  	[smem:$0x3FB6] =	sst s8  }
0x11: {  	[smem:$0x3FB7] =	sst s9;
	s0 =	simm.s32 @!p0 $0x0  }
0x12: {  	s1 =	sld [smem:$0x3F9D];
	s0 =	simm.s32 @p0 $0x1  }
0x13: {  	[smem:$0x3FB8] =	sst s0;
	s0 =	simm.s32 @!p1 $0x0  }
0x14: {  	s2 =	sld [smem:$0x3F9C];
	s0 =	simm.s32 @p1 $0x1  }
0x15: {  	[smem:$0x3FB9] =	sst s0;
	s0 =	simm.s32 @!p2 $0x0  }
0x16: {  	s3 =	sld [smem:$0x3FDB];
	s0 =	simm.s32 @p2 $0x1  }
0x17: {  	s4 =	simm.s32 $0x1BF5;
	[smem:$0x3FBB] =	sst s0  }
0x18: {  	s0 =	sld [smem:$0x3F9E];
	_ =	swait.ge [sflag:s4], $0x0  }
0x19: {  	s7 =	sld [smem:$0x3F9F]  }
0x1a: {  	s8 =	sadd.s32 $0xFFFFE003, lr  }
0x1b: {  	s9 =	sadd.s32 $0xFFFFFEF7, lr;
	s5 =	simm.s32 $0xFFFFFFFF;
	p2 =	slt.u32 s8, $0xFFFFF086  }
0x1c: {  	p1 =	slt.u32 s9, $0xF7A;
	s5 =	simm.s32 @!p2 $0x0  }
0x1d: {  	s5 =	simm.s32 @p1 $0x1;
	p0 =	seq.s32 s7, s2  }
0x1e: {  	s7 =	smul.u32 @!p0 $0xF7A, s2;
	p2 =	seq.s32 @!p0 s5, $0x0  }
0x1f: {  	s9 =	smul.u32 $0xF7A, s1;
	s8 =	simm.s32 @!p0 $0x1BF5;
	p2 =	por !p2, p0  }
0x20: {  	[sflag:s8] =	ssyncset.s32 @!p0 $0xFFFFF086;
	s6 =	sadd.s32 @!p0 s3, s7;
	s7 =	simm.s32 @!p0 $0x108  }
0x21: {  	s3 =	sadd.s32 s3, s9;
	s6 =	sadd.s32 @!p0 $0x88, s6;
	s7 =	simm.s32 @p2 $0x1082  }
0x22: {  	[simem:s7], [sflag:s8] =	dma.local @!p0 [hbm:s6], $0xF7A  }
0x23: {  	s9 =	sor.u32 $0xD0000000, s2;
	s6 =	simm.s32 $0x108;
	_ =	swait.ge @!p0 [sflag:s8], $0x0  }
0x24: {  	s3 =	sadd.s32 $0x88, s3;
	s6 =	simm.s32 @!p1 $0x1082;
	[sflag:s4] =	ssyncset.s32 $0xFFFFF086  }
0x25: {  	[simem:s6], [sflag:s4] =	dma.local [hbm:s3], $0xF7A  }
0x26: {  	[smem:$0x3F9F] =	sst s1;
	(tag) =	ssettag s2;
	_ =	strace s9  }
0x27: {  	s1 =	sld [smem:$0x3FAF]  }
0x28: {  	s2 =	sld [smem:$0x3FB0]  }
0x29: {  	s4 =	sld [smem:$0x3FB2]  }
0x2a: {  	p0 =	seq.s32 s5, $0x0;
	s5 =	sld [smem:$0x3FB3]  }
0x2b: {  	s6 =	sld [smem:$0x3FB4]  }
0x2c: {  	s7 =	sld [smem:$0x3FB5]  }
0x2d: {  	s3 =	simm.s32 $0x108;
	s8 =	sld [smem:$0x3FB6]  }
0x2e: {  	s3 =	simm.s32 @!p0 $0x1082;
	s9 =	sld [smem:$0x3FB7]  }
0x2f: {  	lr =	sadd.s32 s0, s3;
	s0 =	sld [smem:$0x3FAE]  }
0x30: {  	s3 =	sld [smem:$0x3FB1]  }
0x31: {  	[smem:$0x3FBA] =	sst s10  }
0x32: {  	s10 =	sld [smem:$0x3FB8];
	_ =	sdelay $0x3  }
0x33: {  	p0 =	seq.s32 s10, $0x1;
	s10 =	sld [smem:$0x3FBA];
	_ =	sdelay $0x3  }
0x34: {  	[smem:$0x3FBA] =	sst s10  }
0x35: {  	s10 =	sld [smem:$0x3FB9];
	_ =	sdelay $0x3  }
0x36: {  	p1 =	seq.s32 s10, $0x1;
	s10 =	sld [smem:$0x3FBA];
	_ =	sdelay $0x3  }
0x37: {  	[smem:$0x3FBA] =	sst s10  }
0x38: {  	s10 =	sld [smem:$0x3FBB]  }
0x39: {  	_ = 	snop;
	(pc) =	sbr.ind lr, $3  }
0x3a: {  	_ = 	snop  }
0x3b: {  	_ = 	snop  }
0x3c: {  	p2 =	seq.s32 s10, $0x1;
	s10 =	sld [smem:$0x3FBA]  }
0x3d: {  	_ =	shalt  }
0x3e: {  	_ =	shalt  }
0x3f: {  	_ =	shalt  }
0x40: {  	_ =	shalt  }
0x41: {  	_ =	shalt  }
0x42: {  	_ =	shalt  }
0x43: {  	_ =	shalt  }
0x44: {  	_ =	shalt  }
0x45: {  	_ =	shalt  }
0x46: {  	_ =	shalt  }
0x47: {  	_ =	shalt  }
0x48: {  	_ =	shalt  }
0x49: {  	_ =	shalt  }
0x4a: {  	_ =	shalt  }
0x4b: {  	_ =	shalt  }
0x4c: {  	_ =	shalt  }
0x4d: {  	_ =	shalt  }
0x4e: {  	_ =	shalt  }
0x4f: {  	_ =	shalt  }
0x50: {  	_ =	shalt  }
0x51: {  	_ =	shalt  }
0x52: {  	_ =	shalt  }
0x53: {  	_ =	shalt  }
0x54: {  	_ =	shalt  }
0x55: {  	_ =	shalt  }
0x56: {  	_ =	shalt  }
0x57: {  	_ =	shalt  }
0x58: {  	_ =	shalt  }
0x59: {  	_ =	shalt  }
0x5a: {  	_ =	shalt  }
0x5b: {  	_ =	shalt  }
0x5c: {  	_ =	shalt  }
0x5d: {  	_ =	shalt  }
0x5e: {  	_ =	shalt  }
0x5f: {  	_ =	shalt  }
0x60: {  	_ =	shalt  }
0x61: {  	_ =	shalt  }
0x62: {  	_ =	shalt  }
0x63: {  	_ =	shalt  }
0x64: {  	_ =	shalt  }
0x65: {  	_ =	shalt  }
0x66: {  	_ =	shalt  }
0x67: {  	_ =	shalt  }
0x68: {  	_ =	shalt  }
0x69: {  	_ =	shalt  }
0x6a: {  	_ =	shalt  }
0x6b: {  	_ =	shalt  }
0x6c: {  	_ =	shalt  }
0x6d: {  	_ =	shalt  }
0x6e: {  	_ =	shalt  }
0x6f: {  	_ =	shalt  }
0x70: {  	_ =	shalt  }
0x71: {  	_ =	shalt  }
0x72: {  	_ =	shalt  }
0x73: {  	_ =	shalt  }
0x74: {  	_ =	shalt  }
0x75: {  	_ =	shalt  }
0x76: {  	_ =	shalt  }
0x77: {  	_ =	shalt  }
0x78: {  	_ =	shalt  }
0x79: {  	_ =	shalt  }
0x7a: {  	_ =	shalt  }
0x7b: {  	_ =	shalt  }
0x7c: {  	_ =	shalt  }
0x7d: {  	_ =	shalt  }
0x7e: {  	_ =	shalt  }
0x7f: {  	_ =	shalt  }
0x80: {  	_ =	shalt  }
0x81: {  	_ =	shalt  }
0x82: {  	_ =	shalt  }
0x83: {  	_ =	shalt  }
0x84: {  	_ =	shalt  }
0x85: {  	_ =	shalt  }
0x86: {  	_ =	shalt  }
0x87: {  	_ =	shalt  }
.Lfunc_end0:
.L_simem_size_0:
called_computation.2_lowered:
.L_overlay_start_0:
0x88: {  	s2 =	sld [smem:$0x3FD9]  }
0x89: {  	s3 =	sld [smem:$0x3FFE];
	_ =	sdelay $0x1  }
0x8a: {  	s1 =	srdreg.scid  }
0x8b: {  	s0 =	sand.u32 $0x1, s1  }
0x8c: {  	s17 =	sshll.u32 s0, $0xA;
	s2 =	sadd.s32 s3, s2  }
0x8d: {  	s2 =	sadd.s32 s2, s17  }
0x8e: {  	[smem:$0x3FC6] =	sst s2  }
0x8f: {  	_ = 	snop  }
0x90: {  	s2 =	sld [smem:$0x3FD0];
	(tm) =	ssettm $0x1  }
0x91: {  	s18 =	sld [smem:$0x3FFB];
	_ =	sdelay $0x3  }
0x92: {  	_ =	strace s18  }
0x93: {  	s3 =	sld [smem:$0x3FFC];
	_ =	sdelay $0x3  }
0x94: {  	_ =	strace s3  }
0x95: {  	s3 =	sld [smem:$0x3FFD];
	_ =	sdelay $0x3  }
0x96: {  	_ =	strace s3  }
0x97: {  	_ =	strace $0x8FFFFFFF  }
0x98: {  	s19 =	sld [smem:$0x3FDB];
	_ =	sdelay $0x1  }
0x99: {  	s4 =	simm.s32 $_scs_section_size  }
0x9a: {  	s5 =	simm.s32 $_size__tile_overlayer_lowered;
	s6 =	simm.s32 $_tile_overlayer_lowered  }
0x9b: {  	s22 =	simm.s32 $0x1BFF;
	s21 =	sshll.u32 s6, $0x1;
	s3 =	sadd.s32 s4, s19  }
0x9c: {  	s7 =	simm.s32 $0x0;
	s20 =	sshll.u32 s5, $0x1;
	s5 =	sadd.s32 s21, s3  }
0x9d: {  	[timem:s7], [sflag:s22] =	dma.local [hbm:s5], s20  }
0x9e: {  	_ =	swait.ge [sflag:s22], s20  }
0x9f: {  	s4 =	ssub.s32 $0x0, s20;
	[sflag:s22] =	ssyncset.done $0x0  }
0xa0: {  	[sflag:s22] =	ssyncadd.s32 s4;
	_ =	sdelay $0x1  }
0xa1: {  	s23 =	simm.s32 $0x1B8B  }
0xa2: {  	_ =	swait.ge [sflag:s23], $0x1  }
0xa3: {  	[sflag:s23] =	ssyncset.done $0x0  }
0xa4: {  	s25 =	simm.s32 $0x1B8E;
	s24 =	sld [smem:$0x3FFE];
	[sflag:s23] =	ssyncadd.s32 $0xFFFFFFFF  }
0xa5: {  	s26 =	simm.s32 $execute0_lowered;
	[smem:$0x3FD2] =	sst s25  }
0xa6: {  	s5 =	sshll.u32 s26, $0x1;
	_ =	strace $0x80000049;
	[dreg:$0x1] =	wrdreg $0xFFFFFFFF  }
0xa7: {  	s28 =	simm.s32 $_size_execute0_lowered;
	s3 =	sadd.s32 s3, s5;
	[dreg:$0x0] =	wrdreg $0x0  }
0xa8: {  	s5 =	sshll.u32 s28, $0x1;
	[dreg:$0x2] =	wrdreg s3  }
0xa9: {  	[dreg:$0x3] =	wrdreg s5  }
0xaa: {  	[dreg:$0x4] =	wrdreg $0xC0  }
0xab: {  	_ =	task [dreg:s7], $0x5FFFF  }
0xac: {  	[dreg:$0x1] =	wrdreg $0xFFFFFFFF  }
0xad: {  	[dreg:$0x0] =	wrdreg $0x60  }
0xae: {  	[dreg:$0x2] =	wrdreg s24  }
0xaf: {  	[dreg:$0x3] =	wrdreg s2  }
0xb0: {  	[dreg:$0x4] =	wrdreg $0x9  }
0xb1: {  	_ =	task.clear_ibuf [dreg:s7], $0x5FFFF;
	_ =	strace $0x90000049  }
0xb2: {  	s29 =	simm.s32 $0x9;
	_ =	strace $0x8000004B  }
0xb3: {  	_ =	swait.ge [sflag:s29], $0x1  }
0xb4: {  	[sflag:s29] =	ssyncadd.s32 $0xFFFFFFFF  }
0xb5: {  	_ =	strace $0x9000004B  }
0xb6: {  	_ =	sfence  }
0xb7: {  	s30 =	sld [smem:$0x0];
	_ =	sdelay $0x2  }
0xb8: {  	s31 =	sshll.u32 s1, $0xD;
	s1 =	sshrl.u32 s1, $0x2  }
0xb9: {  	s3 =	sand.u32 $0x4000, s31;
	s1 =	sadd.s32 s1, s30  }
0xba: {  	s0 =	sor.u32 s3, s0;
	s1 =	sshll.u32 s1, $0x11  }
0xbb: {  	s0 =	sor.u32 s1, s0  }
0xbc: {  	s0 =	sadd.s32 $0x8F2B, s0  }
0xbd: {  	[sflag:s0] =	ssyncadd.remote.s32 $0x1  }
0xbe: {  	_ =	sfence.sel $0xFFFF  }
0xbf: {  	[dreg:$0x0] =	wrdreg $0xFFFFFFFF;
	(pc) =	sbr.abs _section_cstart, $3  }
0xc0: {  	[dreg:$0x1] =	wrdreg $0xFFFFFFFF  }
0xc1: {  	_ =	task.clear_ibuf [dreg:s7], $0x2FFFF;
	_ =	strace $0x9FFFFFFF  }
0xc2: {  	(tm) =	ssettm $0x7FFFFFFF  }
0xc3: {  	_ =	shalt  }
tec
execute0_lowered:
.L_overlay_start_1:
0x0: {  	(tag) =	ssettag $0x1  }
0x1: {  	s0 =	srdreg.scid;
	s1 =	rddreg [dreg:$0x0]  }
0x2: {  	s9 =	stileid.u32;
	s5 =	rddreg [dreg:$0x1];
	s12 =	simm.s32 $0x80  }
0x3: {  	s13 =	simm.s32 $0x6400;
	s16 =	simm.s32 $0xA400;
	s28 =	simm.s32 $0x1  }
0x4: {  	s29 =	simm.s32 $0x16400;
	s30 =	simm.s32 $0x18400;
	s31 =	simm.s32 $0x2  }
0x5: {  	s14 =	simm.s32 $0x5;
	s15 =	simm.s32 $0x6;
	s6 =	smul.u32 $0xC800, s9  }
0x6: {  	s17 =	simm.s32 $0x7;
	s0 =	sand.u32 $0x1, s0;
	s22 =	smul.u32 $0x64000, s9  }
0x7: {  	s18 =	simm.s32 $0x8;
	s2 =	sshll.u32 s9, $0x1;
	s7 =	smul.u32 $0x6400, s0  }
0x8: {  	s3 =	sor.u32 s0, s2;
	s8 =	ssub.s32 $0x2, s0;
	s0 =	smul.u32 $0x32000, s0  }
0x9: {  	s19 =	simm.s32 $0x9;
	s2 =	simm.s32 $0x0;
	s4 =	smul.u32 $0x6400, s3  }
0xa: {  	[smem:$0x7FF] =	sst s2;
	s3 =	sadd.s32 $0xF5C200, s1;
	s20 =	sshrl.u32 s8, $0x1  }
0xb: {  	s26 =	sadd.s32 s22, s5;
	s22 =	simm.s32 $0x0;
	_ =	strace $0x8000004A  }
0xc: {  	s6 =	sadd.s32 s7, s6;
	s0 =	sadd.s32 s0, s26;
	s4 =	sshrl.u32 s4, $0x3  }
0xd: {  	s26 =	simm.s32 $0x14400;
	s21 =	sshll.u32 s6, $0x3;
	s1 =	sadd.s32 s4, s1  }
0xe: {  	[dreg:$0x9] =	wrdreg s0;
	s4 =	ssub.s32 s8, s20;
	s1 =	sadd.s32 $0xF43200, s1  }
0xf: {  	s4 =	smax.u32 s4, $0x1;
	[dreg:$0x3] =	wrdreg s1;
	s1 =	sadd.s32 s21, s5  }
.Ltmp0:
0x10: {  	[dreg:$0x4] =	wrdreg s4;
	s23 =	sadd.s32 $0x2000, s1;
	(pc) =	sbr.rel .LBB2_1-.Ltmp0, $4  }
0x11: {  	s0 =	simm.s32 $0x4;
	s24 =	sadd.s32 $0x1800, s1;
	[dreg:$0x5] =	wrdreg s23  }
0x12: {  	s20 =	simm.s32 $0xE400;
	s25 =	sadd.s32 $0x1000, s1;
	[dreg:$0x6] =	wrdreg s24  }
0x13: {  	s21 =	simm.s32 $0xA;
	s1 =	sadd.s32 $0x800, s1;
	[dreg:$0x7] =	wrdreg s25  }
0x14: {  	[dreg:$0x8] =	wrdreg s1;
	s24 =	simm.s32 $0x12400;
	s1 =	simm.s32 $0x3  }
.LBB2_4:
0x15: {  	_ =	swait.ge [sflag:s15], $0x4000  }
0x16: {  	[sflag:s15] =	ssyncset.done $0x0  }
0x17: {  	[sflag:s15] =	ssyncadd.s32 $0xFFFFC000  }
0x18: {  	_ =	swait.ge [sflag:s17], $0x4000  }
0x19: {  	[sflag:s17] =	ssyncset.done $0x0  }
0x1a: {  	[sflag:s17] =	ssyncadd.s32 $0xFFFFC000  }
0x1b: {  	_ =	swait.ge [sflag:s18], $0x4000  }
0x1c: {  	[sflag:s18] =	ssyncset.done $0x0  }
0x1d: {  	[sflag:s18] =	ssyncadd.s32 $0xFFFFC000  }
0x1e: {  	_ =	swait.ge [sflag:s19], $0x4000  }
0x1f: {  	[sflag:s19] =	ssyncset.done $0x0  }
0x20: {  	[sflag:s19] =	ssyncadd.s32 $0xFFFFC000  }
0x21: {  	_ =	swait.ge [sflag:s21], $0x4000  }
0x22: {  	s22 =	sadd.s32 $0x1, s22;
	s4 =	rddreg [dreg:$0x4]  }
0x23: {  	p0 =	sne.s32 s22, s4  }
.Ltmp1:
0x24: {  	_ = 	snop;
	(pc) =	sbr.rel @!p0 .LBB2_5-.Ltmp1, $3  }
0x25: {  	_ =	sdelay $0x1  }
0x26: {  	[sflag:s21] =	ssyncset.done $0x0  }
0x27: {  	[sflag:s21] =	ssyncadd.s32 $0xFFFFC000  }
.LBB2_1:
0x28: {  	s4 =	rddreg [dreg:$0x3];
	s5 =	simm.s32 $0xB  }
0x29: {  	[tilespmem:s2], [sflag:$0xB] =	stream.linear.gather [hbm4b:s4+s2], $0x6400, $0x38;
	[tilespmem:$0x1A400] =	vst v63  }
0x2a: {  	_ =	swait.ge [sflag:s5], $0x6400  }
0x2b: {  	[sflag:s5] =	ssyncset.done $0x0  }
0x2c: {  	[sflag:s5] =	ssyncadd.s32 $0xFFFF9C00  }
0x2d: {  	[tilespmem:s13], [sflag:$0x1] =	stream.indirect.gather [hbm4b:s3+s12], $0x40, s2, s12, $0xb8;
	[tilespmem:$0x1A400] =	vst v63  }
0x2e: {  	s6 =	simm.s32 $0x8400  }
0x2f: {  	[tilespmem:s6], [sflag:$0x1] =	stream.indirect.gather [hbm4b:s3+s12], $0x40, s12, s12, $0xb8;
	[tilespmem:$0x1A400] =	vst v63  }
0x30: {  	s7 =	simm.s32 $0x100  }
0x31: {  	[tilespmem:s16], [sflag:$0x2] =	stream.indirect.gather [hbm4b:s3+s12], $0x40, s7, s12, $0xb8;
	[tilespmem:$0x1A400] =	vst v63  }
0x32: {  	s8 =	simm.s32 $0x180;
	s5 =	simm.s32 $0xC400;
	s6 =	rddreg [dreg:$0x5]  }
0x33: {  	[tilespmem:s5], [sflag:$0x2] =	stream.indirect.gather [hbm4b:s3+s12], $0x40, s8, s12, $0xb8;
	[tilespmem:$0x1A400] =	vst v63  }
0x34: {  	s9 =	simm.s32 $0x200;
	s7 =	rddreg [dreg:$0x6]  }
0x35: {  	[tilespmem:s20], [sflag:$0x3] =	stream.indirect.gather [hbm4b:s3+s12], $0x40, s9, s12, $0xb8;
	[tilespmem:$0x1A400] =	vst v63  }
0x36: {  	s10 =	simm.s32 $0x280;
	s11 =	simm.s32 $0x10400;
	s8 =	rddreg [dreg:$0x7]  }
0x37: {  	[tilespmem:s11], [sflag:$0x3] =	stream.indirect.gather [hbm4b:s3+s12], $0x40, s10, s12, $0xb8;
	[tilespmem:$0x1A400] =	vst v63  }
0x38: {  	s23 =	simm.s32 $0x300;
	s9 =	rddreg [dreg:$0x8]  }
0x39: {  	[tilespmem:s24], [sflag:$0x4] =	stream.indirect.gather [hbm4b:s3+s12], $0x40, s23, s12, $0xb8;
	[tilespmem:$0x1A400] =	vst v63  }
0x3a: {  	s25 =	simm.s32 $0x380;
	s5 =	simm.s32 $0x0;
	s10 =	rddreg [dreg:$0x9]  }
0x3b: {  	[tilespmem:s26], [sflag:$0x4] =	stream.indirect.gather [hbm4b:s3+s12], $0x40, s25, s12, $0xb8;
	[tilespmem:$0x1A400] =	vst v63  }
.LBB2_2:
0x3c: {  	_ =	swait.ge [sflag:s28], $0x4000  }
0x3d: {  	p0 =	seq.s32 s5, $0x0;
	[sflag:s28] =	ssyncset.done $0x0  }
0x3e: {  	s4 =	simm.s32 @!p0 $0xA;
	[sflag:s28] =	ssyncadd.s32 $0xFFFFC000  }
0x3f: {  	[hbm4b:s10+s2] =	stream.linear.scatter [tilespmem:s13], [sflag:$0x6], $0x4000, $0x38;
	[tilespmem:$0x1A400] =	vst v63  }
0x40: {  	s25 =	sshra.s32 @!p0 s5, $0x2;
	_ =	swait.ge @!p0 [sflag:s4], $0x4000  }
0x41: {  	s25 =	simm.s32 @p0 $0x0;
	[sflag:s4] =	ssyncset.done @!p0 $0x0  }
0x42: {  	s23 =	sadd.s32 $0x400, s25;
	[sflag:s4] =	ssyncadd.s32 @!p0 $0xFFFFC000  }
0x43: {  	[tilespmem:s29], [sflag:$0x5] =	stream.indirect.gather [hbm4b:s3+s12], $0x40, s23, s12, $0xb8;
	[tilespmem:$0x1A400] =	vst v63  }
0x44: {  	s25 =	sadd.s32 $0x480, s25  }
0x45: {  	[tilespmem:s30], [sflag:$0x5] =	stream.indirect.gather [hbm4b:s3+s12], $0x40, s25, s12, $0xb8;
	[tilespmem:$0x1A400] =	vst v63  }
0x46: {  	_ =	swait.ge [sflag:s31], $0x4000  }
0x47: {  	p0 =	seq.s32 s5, $0x17C00;
	[sflag:s31] =	ssyncset.done $0x0  }
0x48: {  	s4 =	simm.s32 @!p0 $0x6;
	[sflag:s31] =	ssyncadd.s32 $0xFFFFC000  }
0x49: {  	[hbm4b:s9+s2] =	stream.linear.scatter [tilespmem:s16], [sflag:$0x7], $0x4000, $0x38;
	[tilespmem:$0x1A400] =	vst v63  }
0x4a: {  	_ =	swait.ge @!p0 [sflag:s4], $0x4000  }
0x4b: {  	[sflag:s4] =	ssyncset.done @!p0 $0x0  }
0x4c: {  	[sflag:s4] =	ssyncadd.s32 @!p0 $0xFFFFC000;
	s4 =	sshra.s32 @!p0 s5, $0x2  }
0x4d: {  	s23 =	simm.s32 @!p0 $0x80;
	s11 =	simm.s32 @!p0 $0x6400;
	s25 =	sadd.s32 @!p0 $0x500, s4  }
0x4e: {  	[tilespmem:s11], [sflag:$0x1] =	stream.indirect.gather @!p0 [hbm4b:s3+s23], $0x40, s25, s23, $0xb8;
	[tilespmem:$0x1A400] =	vst v63  }
0x4f: {  	s11 =	sadd.s32 @!p0 $0x580, s4;
	s25 =	simm.s32 @!p0 $0x8400  }
0x50: {  	[tilespmem:s25], [sflag:$0x1] =	stream.indirect.gather @!p0 [hbm4b:s3+s23], $0x40, s11, s23, $0xb8;
	[tilespmem:$0x1A400] =	vst v63  }
0x51: {  	_ =	swait.ge [sflag:s1], $0x4000  }
0x52: {  	[sflag:s1] =	ssyncset.done $0x0  }
0x53: {  	s11 =	simm.s32 @!p0 $0x7;
	[sflag:s1] =	ssyncadd.s32 $0xFFFFC000  }
0x54: {  	[hbm4b:s8+s2] =	stream.linear.scatter [tilespmem:s20], [sflag:$0x8], $0x4000, $0x38;
	[tilespmem:$0x1A400] =	vst v63  }
0x55: {  	_ =	swait.ge @!p0 [sflag:s11], $0x4000  }
0x56: {  	[sflag:s11] =	ssyncset.done @!p0 $0x0  }
0x57: {  	s25 =	simm.s32 @!p0 $0xA400;
	[sflag:s11] =	ssyncadd.s32 @!p0 $0xFFFFC000;
	s11 =	sadd.s32 @!p0 $0x600, s4  }
0x58: {  	[tilespmem:s25], [sflag:$0x2] =	stream.indirect.gather @!p0 [hbm4b:s3+s23], $0x40, s11, s23, $0xb8;
	[tilespmem:$0x1A400] =	vst v63  }
0x59: {  	s11 =	sadd.s32 @!p0 $0x680, s4;
	s25 =	simm.s32 @!p0 $0xC400  }
0x5a: {  	[tilespmem:s25], [sflag:$0x2] =	stream.indirect.gather @!p0 [hbm4b:s3+s23], $0x40, s11, s23, $0xb8;
	[tilespmem:$0x1A400] =	vst v63  }
0x5b: {  	_ =	swait.ge [sflag:s0], $0x4000  }
0x5c: {  	[sflag:s0] =	ssyncset.done $0x0  }
0x5d: {  	s11 =	simm.s32 @!p0 $0x8;
	[sflag:s0] =	ssyncadd.s32 $0xFFFFC000  }
0x5e: {  	[hbm4b:s7+s2] =	stream.linear.scatter [tilespmem:s24], [sflag:$0x9], $0x4000, $0x38;
	[tilespmem:$0x1A400] =	vst v63  }
0x5f: {  	_ =	swait.ge @!p0 [sflag:s11], $0x4000  }
0x60: {  	[sflag:s11] =	ssyncset.done @!p0 $0x0  }
0x61: {  	s25 =	simm.s32 @!p0 $0xE400;
	[sflag:s11] =	ssyncadd.s32 @!p0 $0xFFFFC000;
	s11 =	sadd.s32 @!p0 $0x700, s4  }
0x62: {  	[tilespmem:s25], [sflag:$0x3] =	stream.indirect.gather @!p0 [hbm4b:s3+s23], $0x40, s11, s23, $0xb8;
	[tilespmem:$0x1A400] =	vst v63  }
0x63: {  	s4 =	sadd.s32 @!p0 $0x780, s4;
	s11 =	simm.s32 @!p0 $0x10400  }
0x64: {  	[tilespmem:s11], [sflag:$0x3] =	stream.indirect.gather @!p0 [hbm4b:s3+s23], $0x40, s4, s23, $0xb8;
	[tilespmem:$0x1A400] =	vst v63  }
.Ltmp2:
0x65: {  	_ = 	snop;
	(pc) =	sbr.rel @p0 .LBB2_4-.Ltmp2, $4  }
0x66: {  	_ =	swait.ge [sflag:s14], $0x4000  }
0x67: {  	[sflag:s14] =	ssyncset.done $0x0  }
0x68: {  	[sflag:s14] =	ssyncadd.s32 $0xFFFFC000  }
0x69: {  	[hbm4b:s6+s2] =	stream.linear.scatter [tilespmem:s29], [sflag:$0xA], $0x4000, $0x38;
	[tilespmem:$0x1A400] =	vst v63  }
0x6a: {  	_ =	swait.ge [sflag:s19], $0x4000  }
0x6b: {  	s4 =	sshra.s32 s5, $0x2;
	s5 =	sadd.s32 $0x1400, s5;
	s6 =	sadd.s32 $0x2800, s6  }
.Ltmp3:
0x6c: {  	s7 =	sadd.s32 $0x2800, s7;
	[sflag:s19] =	ssyncset.done $0x0;
	(pc) =	sbr.rel .LBB2_2-.Ltmp3, $4  }
0x6d: {  	s8 =	sadd.s32 $0x2800, s8;
	s11 =	sadd.s32 $0x800, s4;
	[sflag:s19] =	ssyncadd.s32 $0xFFFFC000  }
0x6e: {  	[tilespmem:s24], [sflag:$0x4] =	stream.indirect.gather [hbm4b:s3+s12], $0x40, s11, s12, $0xb8;
	[tilespmem:$0x1A400] =	vst v63  }
0x6f: {  	s9 =	sadd.s32 $0x2800, s9;
	s10 =	sadd.s32 $0x2800, s10;
	s4 =	sadd.s32 $0x880, s4  }
0x70: {  	[tilespmem:s26], [sflag:$0x4] =	stream.indirect.gather [hbm4b:s3+s12], $0x40, s4, s12, $0xb8;
	[tilespmem:$0x1A400] =	vst v63  }
.LBB2_5:
0x71: {  	_ =	sfence.sel $0x180000  }
0x72: {  	[bflag:$0x0] =	sbarrier.arrive $0xFFFF  }
0x73: {  	_ =	strace $0x9000004A  }
0x74: {  	s0 =	stileid.u32;
	[bflag:$0x2] =	sbarrier.arrive $0xFFFF  }
0x75: {  	p0 =	sne.s32 s0, $0x0;
	s0 =	rddreg [dreg:$0x2]  }
0x76: {  	s0 =	sadd.s32 @!p0 $0x100000, s0  }
0x77: {  	[sflag:s0] =	ssyncadd.tile.s32 @!p0 $0x1;
	_ =	shalt  }
.Lfunc_end2:
_tile_overlayer_lowered:
.L_overlay_start_2:
0x78: {  	(tag) =	ssettag $0x2  }
0x79: {  	s0 =	rddreg [dreg:$0x0];
	s2 =	stileid.u32  }
0x7a: {  	s1 =	rddreg [dreg:$0x1];
	p0 =	sne.s32 s2, $0x0  }
0x7b: {  	s3 =	rddreg [dreg:$0x2];
	[bflag:$0x3] =	sbarrier.arrive $0xFFFF;
	s2 =	simm.s32 @!p0 $0x1C0B  }
0x7c: {  	[timem:s3], [sflag:s2] =	dma.local @!p0 [hbm:s0], s1  }
0x7d: {  	s0 =	simm.s32 @!p0 $0xB  }
0x7e: {  	_ =	swait.ge @!p0 [sflag:s0], s1  }
0x7f: {  	s1 =	ssub.s32 @!p0 $0x0, s1;
	[sflag:s0] =	ssyncset.done @!p0 $0x0  }
0x80: {  	[sflag:s0] =	ssyncadd.s32 @!p0 s1  }
0x81: {  	[bflag:$0x3] =	sbarrier.arrive $0xFFFF  }
0x82: {  	_ =	shalt  }

// kernel: sparse-core-data-format-call.1.cloned.1.call-start
scs
called_computation.1_lowered:
.L_overlay_start_0:
0x0: {  	s2 =	sld [smem:$0x3FD9]  }
0x1: {  	s3 =	sld [smem:$0x3FFE];
	_ =	sdelay $0x1  }
0x2: {  	s1 =	srdreg.scid  }
0x3: {  	s0 =	sand.u32 $0x1, s1  }
0x4: {  	s18 =	sshll.u32 s0, $0xA;
	s2 =	sadd.s32 s3, s2  }
0x5: {  	s2 =	sadd.s32 s2, s18  }
0x6: {  	[smem:$0x3FC6] =	sst s2  }
0x7: {  	_ = 	snop  }
0x8: {  	s2 =	sld [smem:$0x3FC9];
	(tm) =	ssettm $0x1  }
0x9: {  	s19 =	sld [smem:$0x3FFB];
	_ =	sdelay $0x3  }
0xa: {  	_ =	strace s19  }
0xb: {  	s3 =	sld [smem:$0x3FFC];
	_ =	sdelay $0x3  }
0xc: {  	_ =	strace s3  }
0xd: {  	s3 =	sld [smem:$0x3FFD];
	_ =	sdelay $0x3  }
0xe: {  	_ =	strace s3  }
0xf: {  	_ =	strace $0x8FFFFFFF  }
0x10: {  	s20 =	sld [smem:$0x3FDB];
	_ =	sdelay $0x1  }
0x11: {  	s4 =	simm.s32 $_scs_section_size  }
0x12: {  	s5 =	simm.s32 $_size__tile_overlayer_lowered;
	s6 =	simm.s32 $_tile_overlayer_lowered  }
0x13: {  	s23 =	simm.s32 $0x1BFF;
	s22 =	sshll.u32 s6, $0x1;
	s3 =	sadd.s32 s4, s20  }
0x14: {  	s7 =	simm.s32 $0x0;
	s21 =	sshll.u32 s5, $0x1;
	s5 =	sadd.s32 s22, s3  }
0x15: {  	[timem:s7], [sflag:s23] =	dma.local [hbm:s5], s21  }
0x16: {  	_ =	swait.ge [sflag:s23], s21  }
0x17: {  	s4 =	ssub.s32 $0x0, s21;
	[sflag:s23] =	ssyncset.done $0x0  }
0x18: {  	[sflag:s23] =	ssyncadd.s32 s4;
	_ =	sdelay $0x1  }
0x19: {  	s24 =	simm.s32 $0x1B8B  }
0x1a: {  	_ =	swait.ge [sflag:s24], $0x1  }
0x1b: {  	[sflag:s24] =	ssyncset.done $0x0  }
0x1c: {  	s26 =	simm.s32 $0x1B8E;
	s25 =	sld [smem:$0x3FFE];
	[sflag:s24] =	ssyncadd.s32 $0xFFFFFFFF  }
0x1d: {  	s27 =	simm.s32 $execute0_lowered;
	[smem:$0x3FD2] =	sst s26  }
0x1e: {  	s5 =	sshll.u32 s27, $0x1;
	_ =	strace $0x80000046;
	[dreg:$0x1] =	wrdreg $0xFFFFFFFF  }
0x1f: {  	s28 =	simm.s32 $_size_execute0_lowered;
	s3 =	sadd.s32 s3, s5;
	[dreg:$0x0] =	wrdreg $0x0  }
0x20: {  	s5 =	sshll.u32 s28, $0x1;
	[dreg:$0x2] =	wrdreg s3  }
0x21: {  	[dreg:$0x3] =	wrdreg s5  }
0x22: {  	[dreg:$0x4] =	wrdreg $0xC0  }
0x23: {  	_ =	task [dreg:s7], $0x5FFFF  }
0x24: {  	[dreg:$0x1] =	wrdreg $0xFFFFFFFF  }
0x25: {  	[dreg:$0x0] =	wrdreg $0x60  }
0x26: {  	[dreg:$0x2] =	wrdreg s2  }
0x27: {  	[dreg:$0x3] =	wrdreg s25  }
0x28: {  	[dreg:$0x4] =	wrdreg $0x9  }
0x29: {  	_ =	task.clear_ibuf [dreg:s7], $0x5FFFF;
	_ =	strace $0x90000046  }
0x2a: {  	s29 =	simm.s32 $0x9;
	_ =	strace $0x80000048  }
0x2b: {  	_ =	swait.ge [sflag:s29], $0x1  }
0x2c: {  	[sflag:s29] =	ssyncadd.s32 $0xFFFFFFFF  }
0x2d: {  	_ =	strace $0x90000048  }
0x2e: {  	_ =	sfence  }
0x2f: {  	s30 =	sld [smem:$0x0];
	_ =	sdelay $0x2  }
0x30: {  	s31 =	sshll.u32 s1, $0xD;
	s1 =	sshrl.u32 s1, $0x2  }
0x31: {  	s3 =	sand.u32 $0x4000, s31;
	s1 =	sadd.s32 s1, s30  }
0x32: {  	s0 =	sor.u32 s3, s0;
	s1 =	sshll.u32 s1, $0x11  }
0x33: {  	s0 =	sor.u32 s1, s0  }
0x34: {  	s0 =	sadd.s32 $0x8F2B, s0  }
0x35: {  	[sflag:s0] =	ssyncadd.remote.s32 $0x1  }
0x36: {  	_ =	sfence.sel $0xFFFF  }
0x37: {  	[dreg:$0x0] =	wrdreg $0xFFFFFFFF;
	(pc) =	sbr.abs _section_cstart, $3  }
0x38: {  	[dreg:$0x1] =	wrdreg $0xFFFFFFFF  }
0x39: {  	_ =	task.clear_ibuf [dreg:s7], $0x2FFFF;
	_ =	strace $0x9FFFFFFF  }
0x3a: {  	(tm) =	ssettm $0x7FFFFFFF  }
0x3b: {  	_ =	shalt  }
tec
execute0_lowered:
.L_overlay_start_1:
0x0: {  	(tag) =	ssettag $0x1  }
0x1: {  	s0 =	srdreg.scid;
	s2 =	rddreg [dreg:$0x0]  }
0x2: {  	s5 =	rddreg [dreg:$0x1];
	s1 =	stileid.u32  }
0x3: {  	s4 =	simm.s32 $0x1;
	s6 =	simm.s32 $0x2;
	s15 =	simm.s32 $0x0  }
0x4: {  	p0 =	por $0x0, $0x0;
	s8 =	simm.s32 $0x80;
	s0 =	sshll.u32 s0, $0x4  }
0x5: {  	s14 =	simm.s32 $0x0;
	s9 =	simm.s32 $0x0;
	s3 =	sand.u32 $0x10, s0  }
.Ltmp0:
0x6: {  	s10 =	simm.s32 $0x0;
	s3 =	sor.u32 s1, s3;
	(pc) =	sbr.rel .LBB1_1-.Ltmp0, $4  }
0x7: {  	s0 =	rddreg [dreg:$0x2];
	_ =	strace $0x80000047;
	s3 =	sshll.u32 s3, $0x7  }
0x8: {  	s12 =	simm.s32 $0x0;
	[sflag:s4] =	ssyncpa.u1 $0x0;
	s7 =	ssub.s32 $0xF4200, s3  }
0x9: {  	s13 =	simm.s32 $0x0;
	[sflag:s6] =	ssyncpa.u1 $0x0;
	s6 =	sshrl.u32 s7, $0xC  }
0xa: {  	s5 =	sadd.s32 $0xE00, s5;
	s11 =	smov.u32 s3;
	s7 =	sadd.s32 $0x2, s6  }
.LBB1_5:
0xb: {  	p1 =	slt.u32 s13, $0x2  }
0xc: {  	s17 =	smov.u32 s15;
	p2 =	sgt.s32 @!p1 s15, $0xF41C0;
	s16 =	sshra.s32 @!p1 s15, $0x1F  }
0xd: {  	p3 =	sgt.s32 @!p1 s14, $0x40;
	s18 =	sshra.s32 @!p1 s14, $0x1F;
	p2 =	por !p2, p1  }
0xe: {  	s15 =	sand.u32 @!p1 s16, s15;
	p3 =	por !p3, p1;
	s16 =	smov.u32 s14  }
0xf: {  	s14 =	sand.u32 @!p1 s18, s14;
	s17 =	simm.s32 @p2 $0xF41C0;
	s16 =	simm.s32 @p3 $0x40  }
0x10: {  	s15 =	ssub.s32 @!p1 s17, s15;
	s14 =	ssub.s32 @!p1 s16, s14  }
0x11: {  	s18 =	smov.u32 s12;
	s16 =	sadd.s32 @!p1 $0xFFF0BE40, s15;
	s17 =	sadd.s32 @!p1 $0xFFFFFFC0, s14  }
0x12: {  	s15 =	ssub.s32 @!p1 $0xF4240, s15;
	p2 =	sgt.s32 @!p1 s16, $0x7F;
	p3 =	sgt.s32 @!p1 s17, $0x3F  }
0x13: {  	s14 =	ssub.s32 @!p1 $0x80, s14;
	p2 =	por !p2, p1;
	p3 =	por !p3, p1  }
0x14: {  	s16 =	sadd.s32 $0x1000, s11;
	s15 =	simm.s32 @!p2 $0x0;
	s14 =	simm.s32 @!p3 $0x0  }
0x15: {  	p2 =	sgt.s32 s16, $0xF423F;
	s14 =	smul.u32 @!p1 s14, s15;
	s15 =	sadd.s32 $0x40, s12  }
0x16: {  	s18 =	smov.u32 @p2 s15  }
0x17: {  	s16 =	smov.u32 @p2 s3;
	p2 =	sgt.s32 s18, $0x3F  }
0x18: {  	s18 =	simm.s32 @p2 $0x0;
	p2 =	sne.s32 s13, s7  }
.Ltmp1:
0x19: {  	p0 =	por !p0, !p0;
	s17 =	simm.s32 @!p1 $0x2;
	(pc) =	sbr.rel @!p2 .LBB1_6-.Ltmp1, $4  }
0x1a: {  	s15 =	smov.u32 s9;
	s9 =	smov.u32 s11;
	s14 =	sand.u32 @!p1 $0x3FFFFFFF, s14  }
0x1b: {  	s11 =	smov.u32 s16;
	_ =	swait.ge @!p1 [sflag:s17], s14;
	s19 =	ssub.s32 @!p1 $0x0, s14  }
0x1c: {  	s14 =	smov.u32 s10;
	s13 =	sadd.s32 $0x1, s13;
	[sflag:s17] =	ssyncset.done @!p1 $0x0  }
0x1d: {  	s10 =	smov.u32 s12;
	s12 =	smov.u32 s18;
	[sflag:s17] =	ssyncadd.s32 @!p1 s19  }
.LBB1_1:
0x1e: {  	p1 =	sgt.u32 s13, s6  }
0x1f: {  	s16 =	sshrl.u32 @!p1 s12, $0x3  }
0x20: {  	s17 =	sshll.u32 @!p1 s11, $0x3;
	s16 =	smul.u32 @!p1 $0x7A1400, s16  }
0x21: {  	s18 =	sshll.u32 @!p1 s12, $0x7;
	s17 =	sand.u32 @!p1 $0xFFFFFC00, s17  }
0x22: {  	s16 =	sadd.s32 @!p1 s16, s17;
	s17 =	sand.u32 @!p1 $0x380, s18  }
0x23: {  	s18 =	sand.u32 @!p1 $0x7F, s11;
	s16 =	sor.u32 @!p1 s17, s16  }
0x24: {  	s17 =	sor.u32 @!p1 s18, s16  }
0x25: {  	s18 =	smulhi.u32 @!p1 $0x218D6287, s17;
	_ =	sdelay $0x1  }
0x26: {  	s16 =	smulhi.u32 @!p1 $0x218D6287, s16;
	s18 =	sshrl.u32 @!p1 s18, $0x11  }
0x27: {  	s18 =	smul.u32 @!p1 $0xF4280, s18  }
0x28: {  	s19 =	sxor.u32 @!p1 $0xFFFFFFFF, s13;
	s16 =	sshrl.u32 @!p1 s16, $0x11  }
0x29: {  	s19 =	sshll.u32 @!p1 s19, $0xD;
	s16 =	sand.u32 @!p1 $0x3F, s16;
	s17 =	ssub.s32 @!p1 s17, s18  }
0x2a: {  	s16 =	smul.u32 @!p1 $0x1E850, s16;
	s18 =	sshrl.u32 @!p1 s17, $0x3;
	s17 =	sand.u32 @!p1 $0x7, s17  }
0x2b: {  	s19 =	sand.u32 @!p1 $0x2000, s19;
	s18 =	sadd.s32 @!p1 s2, s18;
	s17 =	sshll.u32 @!p1 s17, $0x12  }
0x2c: {  	s16 =	sadd.s32 @!p1 s16, s18;
	s17 =	sor.u32 @!p1 $0x400, s17;
	s18 =	simm.s32 @!p1 $0x7A1400  }
0x2d: {  	[tilespmem:s19], [sflag:$0x1] =	stream.strided.gather @!p1 [hbm4b:s16+s17], $0x2000, s18, s17, $0x38;
	[tilespmem:$0x8100] =	vst v63  }
0x2e: {  	p1 =	seq.s32 s13, $0x0  }
0x2f: {  	p2 =	sge.u32 @!p1 s13, s7  }
0x30: {  	p1 =	por p1, p2  }
.Ltmp2:
0x31: {  	_ = 	snop;
	(pc) =	sbr.rel @p1 .LBB1_5-.Ltmp2, $1  }
0x32: {  	_ =	sdelay $0x3  }
0x33: {  	s16 =	simm.s32 $0x1  }
0x34: {  	_ =	swait.ge [sflag:s4], $0x2000;
	s16 =	simm.s32 @!p0 $0x0  }
0x35: {  	[sflag:s4] =	ssyncset.done $0x0;
	s17 =	sshll.u32 s16, $0xD  }
0x36: {  	[sflag:s4] =	ssyncadd.s32 $0xFFFFE000;
	s17 =	sor.u32 $0x40, s17  }
0x37: {  	s16 =	smul.u32 $0x8200, s16;
	v0 =	vld [tilespmem:s17+$0x30]  }
0x38: {  	v1 =	vld [tilespmem:s17+$0xFFFFFFD0]  }
0x39: {  	s16 =	sshrl.u32 s16, $0x2;
	v5 =	vld [tilespmem:s17+$0xFFFFFFE0]  }
0x3a: {  	v6 =	vld [tilespmem:s17+$0xFFFFFFF0];
	s19 =	sor.u32 $0x4000, s16  }
0x3b: {  	s31 =	sand.u32 $0x1, s13;
	v4 =	vld [tilespmem:s17+$0x0];
	s18 =	sadd.s32 $0x0, s19  }
0x3c: {  	v3 =	vld [tilespmem:s17+$0x10];
	s16 =	smul.u32 $0x8200, s31;
	[tilespmem:s18+$0x1C70 ss:$0x41] =	vst.msk $0xffff, v0  }
0x3d: {  	v2 =	vld [tilespmem:s17+$0x20];
	[tilespmem:s18+$0x410 ss:$0x41] =	vst.msk $0xffff, v1  }
0x3e: {  	s16 =	sshrl.u32 s16, $0x2;
	v1 =	vld [tilespmem:s17+$0xFFFFFFC0];
	[tilespmem:s18+$0x820 ss:$0x41] =	vst.msk $0xffff, v5;
	s17 =	sadd.s32 $0x80, s17  }
0x3f: {  	s20 =	simm.s32 $0x4;
	s21 =	simm.s32 $0x8;
	s16 =	sor.u32 $0x4000, s16;
	[tilespmem:s18+$0xC30 ss:$0x41] =	vst.msk $0xffff, v6;
	v0 =	vld [tilespmem:s17+$0x30]  }
.LBB1_3:
0x40: {  	p1 =	sne.s32 s21, $0xFC;
	v5 =	vld [tilespmem:s17+$0xFFFFFFD0];
	[tilespmem:s18+$0x1040 ss:$0x41] =	vst.msk $0xffff, v4  }
0x41: {  	v6 =	vld [tilespmem:s17+$0xFFFFFFE0];
	[tilespmem:s18+$0x1450 ss:$0x41] =	vst.msk $0xffff, v3  }
0x42: {  	s22 =	sshra.s32 s20, $0x2;
	s20 =	smov.u32 s21;
	v7 =	vld [tilespmem:s17+$0xFFFFFFF0];
	[tilespmem:s18+$0x1860 ss:$0x41] =	vst.msk $0xffff, v2  }
.Ltmp3:
0x43: {  	v4 =	vld [tilespmem:s17+$0x0];
	[tilespmem:s18+$0x0 ss:$0x41] =	vst.msk $0xffff, v1;
	s18 =	sadd.s32 s22, s19;
	(pc) =	sbr.rel @p1 .LBB1_3-.Ltmp3, $4  }
0x44: {  	v3 =	vld [tilespmem:s17+$0x10];
	[tilespmem:s18+$0x1C70 ss:$0x41] =	vst.msk $0xffff, v0  }
0x45: {  	[tilespmem:s18+$0x410 ss:$0x41] =	vst.msk $0xffff, v5;
	v2 =	vld [tilespmem:s17+$0x20]  }
0x46: {  	v1 =	vld [tilespmem:s17+$0xFFFFFFC0];
	[tilespmem:s18+$0x820 ss:$0x41] =	vst.msk $0xffff, v6;
	s17 =	sadd.s32 $0x80, s17  }
0x47: {  	s21 =	sadd.s32 $0x4, s21;
	v0 =	vld [tilespmem:s17+$0x30];
	[tilespmem:s18+$0xC30 ss:$0x41] =	vst.msk $0xffff, v7  }
0x48: {  	s21 =	sshll.u32 s9, $0x7;
	s22 =	sshll.u32 s10, $0x3;
	s20 =	sshra.s32 s20, $0x2  }
0x49: {  	p1 =	sgt.s32 s9, $0xF41C0;
	s30 =	sshra.s32 s9, $0x1F;
	s25 =	sshra.s32 s10, $0x1F  }
0x4a: {  	v5 =	vld [tilespmem:s17+$0xFFFFFFD0];
	s28 =	sshrl.u32 s10, $0x3;
	s23 =	sand.u32 $0xFFFFFC00, s21;
	s22 =	sand.u32 $0xFFFFFC00, s22  }
0x4b: {  	[tilespmem:s18+$0x1040 ss:$0x41] =	vst.msk $0xffff, v4;
	v58 =	vld [tilespmem:s17+$0xFFFFFFE0];
	s21 =	sand.u32 $0x380, s21;
	s19 =	sadd.s32 s20, s19;
	s22 =	sadd.s32 s22, s23  }
0x4c: {  	v59 =	vld [tilespmem:s17+$0xFFFFFFF0];
	[tilespmem:s18+$0x1450 ss:$0x41] =	vst.msk $0xffff, v3;
	s29 =	sor.u32 s21, s22;
	s21 =	smov.u32 s9;
	s22 =	sand.u32 s30, s9  }
0x4d: {  	v60 =	vld [tilespmem:s17+$0x0];
	[tilespmem:s18+$0x1860 ss:$0x41] =	vst.msk $0xffff, v2;
	s30 =	sand.u32 $0x7, s10;
	s20 =	sshrl.u32 s29, $0x7;
	s21 =	simm.s32 @!p1 $0xF41C0  }
0x4e: {  	v61 =	vld [tilespmem:s17+$0x10];
	[tilespmem:s18+$0x0 ss:$0x41] =	vst.msk $0xffff, v1;
	p1 =	sgt.s32 s10, $0x40;
	s24 =	ssub.s32 s21, s22;
	s21 =	smov.u32 s10  }
0x4f: {  	v62 =	vld [tilespmem:s17+$0x20];
	[tilespmem:s19+$0x1C70 ss:$0x41] =	vst.msk $0xffff, v0;
	s31 =	smulhi.u32 $0x218DEF5, s20;
	s22 =	sand.u32 s25, s10;
	s21 =	simm.s32 @!p1 $0x40  }
0x50: {  	v63 =	vld [tilespmem:s17+$0xFFFFFFC0];
	[tilespmem:s19+$0x410 ss:$0x41] =	vst.msk $0xffff, v5;
	s26 =	sadd.s32 $0xFFF0BE40, s24;
	s17 =	ssub.s32 $0xF4240, s24;
	s21 =	ssub.s32 s21, s22  }
0x51: {  	[tilespmem:s19+$0x820 ss:$0x41] =	vst.msk $0xffff, v58;
	s23 =	sshrl.u32 s31, $0xD;
	p1 =	sgt.s32 s26, $0x7F;
	s27 =	sadd.s32 $0xFFFFFFC0, s21  }
0x52: {  	[tilespmem:s19+$0xC30 ss:$0x41] =	vst.msk $0xffff, v59;
	s23 =	smul.u32 $0xF4240, s23;
	s18 =	ssub.s32 $0x80, s21;
	p2 =	sgt.s32 s27, $0x3F  }
.Ltmp4:
0x53: {  	[tilespmem:s19+$0x1040 ss:$0x41] =	vst.msk $0xffff, v60;
	s17 =	simm.s32 @p1 $0x0;
	s18 =	simm.s32 @p2 $0x0;
	(pc) =	sbr.rel .LBB1_5-.Ltmp4, $4  }
0x54: {  	s29 =	sand.u32 $0xF, s28;
	[tilespmem:s19+$0x1450 ss:$0x41] =	vst.msk $0xffff, v61;
	s20 =	ssub.s32 s20, s23;
	s17 =	smul.u32 s18, s17  }
0x55: {  	[tilespmem:s19+$0x1860 ss:$0x41] =	vst.msk $0xffff, v62;
	s21 =	sshll.u32 s30, $0x12;
	s20 =	sshll.u32 s20, $0x4;
	s18 =	sadd.s32 s5, s29  }
0x56: {  	[tilespmem:s19+$0x0 ss:$0x41] =	vst.msk $0xffff, v63;
	s31 =	sor.u32 $0x40, s21;
	s18 =	sadd.s32 s20, s18;
	s17 =	sand.u32 $0x3FFFFFFF, s17  }
0x57: {  	[hbm4b:s18+s31] =	stream.strided.scatter [tilespmem:s16], [sflag:$0x2], s17, s8, s31, $0x18;
	[tilespmem:$0x8100] =	vst v63  }
.LBB1_6:
0x58: {  	_ =	sfence.sel $0x180000  }
0x59: {  	s2 =	simm.s32 $0x1;
	[bflag:$0x0] =	sbarrier.arrive $0xFFFF  }
0x5a: {  	s31 =	simm.s32 $0x2;
	[sflag:s2] =	ssyncpa.u1 $0x1  }
0x5b: {  	[sflag:s31] =	ssyncpa.u1 $0x1  }
0x5c: {  	p0 =	sne.s32 s1, $0x0;
	_ =	strace $0x90000047  }
0x5d: {  	s0 =	sadd.s32 @!p0 $0x100000, s0;
	[bflag:$0x2] =	sbarrier.arrive $0xFFFF  }
0x5e: {  	[sflag:s0] =	ssyncadd.tile.s32 @!p0 $0x1;
	_ =	shalt  }
.Lfunc_end1:
_tile_overlayer_lowered:
.L_overlay_start_2:
0x5f: {  	(tag) =	ssettag $0x2  }
0x60: {  	s0 =	rddreg [dreg:$0x0];
	s2 =	stileid.u32  }
0x61: {  	s1 =	rddreg [dreg:$0x1];
	p0 =	sne.s32 s2, $0x0  }
0x62: {  	s3 =	rddreg [dreg:$0x2];
	[bflag:$0x3] =	sbarrier.arrive $0xFFFF;
	s2 =	simm.s32 @!p0 $0x1C01  }
0x63: {  	[timem:s3], [sflag:s2] =	dma.local @!p0 [hbm:s0], s1  }
0x64: {  	s0 =	simm.s32 @!p0 $0x1  }
0x65: {  	_ =	swait.ge @!p0 [sflag:s0], s1  }
0x66: {  	s1 =	ssub.s32 @!p0 $0x0, s1;
	[sflag:s0] =	ssyncset.done @!p0 $0x0  }
0x67: {  	[sflag:s0] =	ssyncadd.s32 @!p0 s1  }
0x68: {  	[bflag:$0x3] =	sbarrier.arrive $0xFFFF  }
0x69: {  	_ =	shalt  }

// kernel: sparse-core-data-format-call.cloned.1.call-start
scs
called_computation_lowered:
.L_overlay_start_0:
0x0: {  	s2 =	sld [smem:$0x3FD9]  }
0x1: {  	s3 =	sld [smem:$0x3FFE];
	_ =	sdelay $0x1  }
0x2: {  	s1 =	srdreg.scid  }
0x3: {  	s0 =	sand.u32 $0x1, s1  }
0x4: {  	s18 =	sshll.u32 s0, $0xA;
	s2 =	sadd.s32 s3, s2  }
0x5: {  	s2 =	sadd.s32 s2, s18  }
0x6: {  	[smem:$0x3FC6] =	sst s2  }
0x7: {  	_ = 	snop  }
0x8: {  	s2 =	sld [smem:$0x3FD0];
	(tm) =	ssettm $0x1  }
0x9: {  	s19 =	sld [smem:$0x3FFB];
	_ =	sdelay $0x3  }
0xa: {  	_ =	strace s19  }
0xb: {  	s3 =	sld [smem:$0x3FFC];
	_ =	sdelay $0x3  }
0xc: {  	_ =	strace s3  }
0xd: {  	s3 =	sld [smem:$0x3FFD];
	_ =	sdelay $0x3  }
0xe: {  	_ =	strace s3  }
0xf: {  	_ =	strace $0x8FFFFFFF  }
0x10: {  	s20 =	sld [smem:$0x3FDB];
	_ =	sdelay $0x1  }
0x11: {  	s4 =	simm.s32 $_scs_section_size  }
0x12: {  	s5 =	simm.s32 $_size__tile_overlayer_lowered;
	s6 =	simm.s32 $_tile_overlayer_lowered  }
0x13: {  	s23 =	simm.s32 $0x1BFF;
	s22 =	sshll.u32 s6, $0x1;
	s3 =	sadd.s32 s4, s20  }
0x14: {  	s7 =	simm.s32 $0x0;
	s21 =	sshll.u32 s5, $0x1;
	s5 =	sadd.s32 s22, s3  }
0x15: {  	[timem:s7], [sflag:s23] =	dma.local [hbm:s5], s21  }
0x16: {  	_ =	swait.ge [sflag:s23], s21  }
0x17: {  	s4 =	ssub.s32 $0x0, s21;
	[sflag:s23] =	ssyncset.done $0x0  }
0x18: {  	[sflag:s23] =	ssyncadd.s32 s4;
	_ =	sdelay $0x1  }
0x19: {  	s24 =	simm.s32 $0x1B8B  }
0x1a: {  	_ =	swait.ge [sflag:s24], $0x1  }
0x1b: {  	[sflag:s24] =	ssyncset.done $0x0  }
0x1c: {  	s26 =	simm.s32 $0x1B8E;
	s25 =	sld [smem:$0x3FFE];
	[sflag:s24] =	ssyncadd.s32 $0xFFFFFFFF  }
0x1d: {  	s27 =	simm.s32 $execute0_lowered;
	[smem:$0x3FD2] =	sst s26  }
0x1e: {  	s5 =	sshll.u32 s27, $0x1;
	_ =	strace $0x8000004C;
	[dreg:$0x1] =	wrdreg $0xFFFFFFFF  }
0x1f: {  	s28 =	simm.s32 $_size_execute0_lowered;
	s3 =	sadd.s32 s3, s5;
	[dreg:$0x0] =	wrdreg $0x0  }
0x20: {  	s5 =	sshll.u32 s28, $0x1;
	[dreg:$0x2] =	wrdreg s3  }
0x21: {  	[dreg:$0x3] =	wrdreg s5  }
0x22: {  	[dreg:$0x4] =	wrdreg $0xC0  }
0x23: {  	_ =	task [dreg:s7], $0x5FFFF  }
0x24: {  	[dreg:$0x1] =	wrdreg $0xFFFFFFFF  }
0x25: {  	[dreg:$0x0] =	wrdreg $0x60  }
0x26: {  	[dreg:$0x2] =	wrdreg s25  }
0x27: {  	[dreg:$0x3] =	wrdreg s2  }
0x28: {  	[dreg:$0x4] =	wrdreg $0x9  }
0x29: {  	_ =	task.clear_ibuf [dreg:s7], $0x5FFFF;
	_ =	strace $0x9000004C  }
0x2a: {  	s29 =	simm.s32 $0x9;
	_ =	strace $0x8000004E  }
0x2b: {  	_ =	swait.ge [sflag:s29], $0x1  }
0x2c: {  	[sflag:s29] =	ssyncadd.s32 $0xFFFFFFFF  }
0x2d: {  	_ =	strace $0x9000004E  }
0x2e: {  	_ =	sfence  }
0x2f: {  	s30 =	sld [smem:$0x0];
	_ =	sdelay $0x2  }
0x30: {  	s31 =	sshll.u32 s1, $0xD;
	s1 =	sshrl.u32 s1, $0x2  }
0x31: {  	s3 =	sand.u32 $0x4000, s31;
	s1 =	sadd.s32 s1, s30  }
0x32: {  	s0 =	sor.u32 s3, s0;
	s1 =	sshll.u32 s1, $0x11  }
0x33: {  	s0 =	sor.u32 s1, s0  }
0x34: {  	s0 =	sadd.s32 $0x8F2B, s0  }
0x35: {  	[sflag:s0] =	ssyncadd.remote.s32 $0x1  }
0x36: {  	_ =	sfence.sel $0xFFFF  }
0x37: {  	[dreg:$0x0] =	wrdreg $0xFFFFFFFF;
	(pc) =	sbr.abs _section_cstart, $3  }
0x38: {  	[dreg:$0x1] =	wrdreg $0xFFFFFFFF  }
0x39: {  	_ =	task.clear_ibuf [dreg:s7], $0x2FFFF;
	_ =	strace $0x9FFFFFFF  }
0x3a: {  	(tm) =	ssettm $0x7FFFFFFF  }
0x3b: {  	_ =	shalt  }
tec
execute0_lowered:
.L_overlay_start_1:
0x0: {  	(tag) =	ssettag $0x1  }
0x1: {  	s0 =	srdreg.scid  }
0x2: {  	s1 =	sshll.u32 s0, $0x4  }
0x3: {  	s0 =	stileid.u32;
	s1 =	sand.u32 $0x10, s1  }
0x4: {  	s7 =	rddreg [dreg:$0x0];
	s1 =	sor.u32 s0, s1  }
0x5: {  	s4 =	simm.s32 $0x1;
	s8 =	simm.s32 $0x2;
	s2 =	sshll.u32 s1, $0x7  }
0x6: {  	s13 =	simm.s32 $0x0;
	s9 =	simm.s32 $0x20000;
	s1 =	ssub.s32 $0x4000, s2  }
0x7: {  	s14 =	simm.s32 $0x0;
	s11 =	simm.s32 $0x0;
	s3 =	sand.u32 $0xF80, s1  }
0x8: {  	s12 =	simm.s32 $0x0;
	s5 =	sshrl.u32 s1, $0xC;
	p0 =	sne.s32 s3, $0x0  }
.Ltmp0:
0x9: {  	s1 =	rddreg [dreg:$0x2];
	s4 =	simm.s32 @!p0 $0x0;
	(pc) =	sbr.rel .LBB1_1-.Ltmp0, $4  }
0xa: {  	s6 =	sadd.s32 $0xE00, s7;
	s3 =	rddreg [dreg:$0x1];
	s5 =	sadd.s32 s4, s5  }
0xb: {  	_ =	strace $0x8000004D;
	s4 =	simm.s32 $0x1;
	s5 =	smul.u32 $0x19, s5  }
0xc: {  	s7 =	sadd.s32 $0x40E00, s7;
	s10 =	smov.u32 s2;
	[sflag:s4] =	ssyncpa.u1 $0x0  }
0xd: {  	p0 =	por $0x0, $0x0;
	[sflag:s8] =	ssyncpa.u1 $0x0;
	s8 =	sadd.s32 $0x1, s5  }
.LBB1_7:
0xe: {  	s15 =	sadd.s32 $0x1000, s10  }
0xf: {  	s13 =	sadd.s32 $0x2, s11;
	s17 =	smov.u32 s11;
	p2 =	sgt.s32 s15, $0x3FFF  }
0x10: {  	s17 =	smov.u32 @p2 s13  }
0x11: {  	s15 =	smov.u32 @p2 s2;
	p2 =	sgt.s32 s17, $0x31  }
0x12: {  	s17 =	simm.s32 @p2 $0x0;
	p2 =	sne.s32 s12, s8  }
.Ltmp1:
0x13: {  	p1 =	slt.u32 s12, $0x2;
	(pc) =	sbr.rel @!p2 .LBB1_8-.Ltmp1, $4  }
0x14: {  	s16 =	simm.s32 @!p1 $0x2  }
0x15: {  	s14 =	smov.u32 s11;
	p0 =	por !p0, !p0;
	_ =	swait.ge @!p1 [sflag:s16], $0x4000  }
0x16: {  	s13 =	smov.u32 s10;
	[sflag:s16] =	ssyncset.done @!p1 $0x0;
	s10 =	smov.u32 s15  }
0x17: {  	s12 =	sadd.s32 $0x1, s12;
	[sflag:s16] =	ssyncadd.s32 @!p1 $0xFFFFC000;
	s11 =	smov.u32 s17  }
.LBB1_1:
0x18: {  	p1 =	sge.u32 s12, s5  }
0x19: {  	s15 =	sxor.u32 @!p1 $0xFFFFFFFF, s12;
	s16 =	sshll.u32 @!p1 s11, $0x12  }
0x1a: {  	s17 =	sshll.u32 @!p1 s10, $0x4;
	s19 =	simm.s32 @!p1 $0x40;
	s20 =	simm.s32 @!p1 $0x80  }
0x1b: {  	s15 =	sshll.u32 @!p1 s15, $0xE;
	s17 =	sand.u32 @!p1 $0x3FFF0, s17;
	s18 =	sadd.s32 @!p1 s6, s16  }
0x1c: {  	s16 =	sadd.s32 @!p1 s16, s7;
	s15 =	sand.u32 @!p1 $0x4000, s15;
	s18 =	sadd.s32 @!p1 s17, s18  }
0x1d: {  	[tilespmem:s15], [sflag:$0x1] =	stream.strided.gather @!p1 [hbm4b:s18+s19], $0x2000, s20, s19, $0x38;
	[tilespmem:$0x10100] =	vst v63  }
0x1e: {  	s31 =	sadd.s32 $0xFFFFFFFF, s12;
	s16 =	sadd.s32 @!p1 s17, s16;
	s15 =	sor.u32 @!p1 $0x2000, s15  }
0x1f: {  	[tilespmem:s15], [sflag:$0x1] =	stream.strided.gather @!p1 [hbm4b:s16+s19], $0x2000, s20, s19, $0x38;
	[tilespmem:$0x10100] =	vst v63  }
0x20: {  	p1 =	sge.u32 s31, s5  }
.Ltmp2:
0x21: {  	_ = 	snop;
	(pc) =	sbr.rel @p1 .LBB1_7-.Ltmp2, $1  }
0x22: {  	_ =	sdelay $0x3  }
0x23: {  	s15 =	simm.s32 $0x1;
	s17 =	sand.u32 $0x1, s12  }
0x24: {  	_ =	swait.ge [sflag:s4], $0x4000;
	s15 =	simm.s32 @!p0 $0x0;
	s17 =	smul.u32 $0x10200, s17  }
0x25: {  	p2 =	por $0x1, $0x1;
	[sflag:s4] =	ssyncset.done $0x0;
	s16 =	smul.u32 $0x10200, s15  }
0x26: {  	s18 =	sshll.u32 s15, $0x10;
	[sflag:s4] =	ssyncadd.s32 $0xFFFFC000;
	s30 =	sshrl.u32 s17, $0x2  }
0x27: {  	s31 =	sshrl.u32 s18, $0x2;
	s18 =	simm.s32 $0x0;
	s16 =	sshrl.u32 s16, $0x2  }
0x28: {  	s15 =	sor.u32 $0x8000, s30;
	s17 =	sadd.s32 $0x20, s31;
	s16 =	sor.u32 $0x8000, s16  }
.LBB1_3:
0x29: {  	s19 =	sshll.u32 s18, $0xD  }
0x2a: {  	s19 =	sand.u32 $0x3FFFE000, s19  }
0x2b: {  	s21 =	sadd.s32 s19, s17  }
0x2c: {  	s31 =	smul.u32 $0x8100, s18;
	v3 =	vld [tilespmem:s21+$0x10]  }
0x2d: {  	v1 =	vld [tilespmem:s21+$0xFFFFFFF0]  }
0x2e: {  	s18 =	sshra.s32 s31, $0x2;
	v0 =	vld [tilespmem:s21+$0x0]  }
0x2f: {  	s18 =	sadd.s32 s18, s16;
	v2 =	vld [tilespmem:s21+$0xFFFFFFE0]  }
0x30: {  	s19 =	sadd.s32 $0x0, s18  }
0x31: {  	p1 =	por p2, p2;
	s20 =	simm.s32 $0x4;
	s21 =	sadd.s32 $0x40, s21;
	[tilespmem:s19+$0x1830 ss:$0x81] =	vst.msk $0xffff, v3  }
.LBB1_4:
0x32: {  	v3 =	vld [tilespmem:s21+$0x10];
	p2 =	sne.s32 s20, $0x1FC;
	[tilespmem:s19+$0x810 ss:$0x81] =	vst.msk $0xffff, v1;
	s22 =	smov.u32 s20;
	s20 =	sadd.s32 $0x4, s20  }
.Ltmp3:
0x33: {  	v1 =	vld [tilespmem:s21+$0xFFFFFFF0];
	[tilespmem:s19+$0x1020 ss:$0x81] =	vst.msk $0xffff, v0;
	(pc) =	sbr.rel @p2 .LBB1_4-.Ltmp3, $4  }
0x34: {  	v0 =	vld [tilespmem:s21+$0x0];
	[tilespmem:s19+$0x0 ss:$0x81] =	vst.msk $0xffff, v2  }
0x35: {  	s19 =	sshra.s32 s22, $0x2;
	v2 =	vld [tilespmem:s21+$0xFFFFFFE0]  }
0x36: {  	s19 =	sadd.s32 s19, s18  }
0x37: {  	s21 =	sadd.s32 $0x40, s21;
	[tilespmem:s19+$0x1830 ss:$0x81] =	vst.msk $0xffff, v3  }
.Ltmp4:
0x38: {  	(pc) =	sbr.rel @p1 .LBB1_3-.Ltmp4, $4  }
0x39: {  	_ = 	snop  }
0x3a: {  	[tilespmem:s19+$0x810 ss:$0x81] =	vst.msk $0xffff, v1  }
0x3b: {  	[tilespmem:s19+$0x1020 ss:$0x81] =	vst.msk $0xffff, v0  }
0x3c: {  	s18 =	simm.s32 $0x1;
	p2 =	por $0x0, $0x0;
	[tilespmem:s19+$0x0 ss:$0x81] =	vst.msk $0xffff, v2  }
0x3d: {  	s16 =	sshll.u32 s13, $0x3;
	s17 =	sand.u32 $0x78, s13;
	s14 =	sshll.u32 s14, $0x11  }
.Ltmp5:
0x3e: {  	s30 =	sand.u32 $0x1F800, s13;
	s16 =	sand.u32 $0x3C00, s16;
	(pc) =	sbr.rel .LBB1_7-.Ltmp5, $4  }
0x3f: {  	s31 =	sand.u32 $0x7, s13;
	s14 =	sadd.s32 s3, s14;
	s16 =	sor.u32 s17, s16  }
0x40: {  	s13 =	sshll.u32 s31, $0x12;
	s14 =	sadd.s32 s30, s14;
	s16 =	sshrl.u32 s16, $0x3  }
0x41: {  	s13 =	sor.u32 $0x400, s13;
	s14 =	sadd.s32 s16, s14  }
0x42: {  	[hbm4b:s14+s13] =	stream.strided.scatter [tilespmem:s15], [sflag:$0x2], $0x4000, s9, s13, $0x20;
	[tilespmem:$0x10100] =	vst v63  }
.LBB1_8:
0x43: {  	_ =	sfence.sel $0x180000  }
0x44: {  	s2 =	simm.s32 $0x1;
	[bflag:$0x0] =	sbarrier.arrive $0xFFFF  }
0x45: {  	s31 =	simm.s32 $0x2;
	[sflag:s2] =	ssyncpa.u1 $0x1  }
0x46: {  	[sflag:s31] =	ssyncpa.u1 $0x1  }
0x47: {  	p0 =	sne.s32 s0, $0x0;
	_ =	strace $0x9000004D  }
0x48: {  	s0 =	sadd.s32 @!p0 $0x100000, s1;
	[bflag:$0x2] =	sbarrier.arrive $0xFFFF  }
0x49: {  	[sflag:s0] =	ssyncadd.tile.s32 @!p0 $0x1;
	_ =	shalt  }
.Lfunc_end1:
_tile_overlayer_lowered:
.L_overlay_start_2:
0x4a: {  	(tag) =	ssettag $0x2  }
0x4b: {  	s0 =	rddreg [dreg:$0x0];
	s2 =	stileid.u32  }
0x4c: {  	s1 =	rddreg [dreg:$0x1];
	p0 =	sne.s32 s2, $0x0  }
0x4d: {  	s3 =	rddreg [dreg:$0x2];
	[bflag:$0x3] =	sbarrier.arrive $0xFFFF;
	s2 =	simm.s32 @!p0 $0x1C01  }
0x4e: {  	[timem:s3], [sflag:s2] =	dma.local @!p0 [hbm:s0], s1  }
0x4f: {  	s0 =	simm.s32 @!p0 $0x1  }
0x50: {  	_ =	swait.ge @!p0 [sflag:s0], s1  }
0x51: {  	s1 =	ssub.s32 @!p0 $0x0, s1;
	[sflag:s0] =	ssyncset.done @!p0 $0x0  }
0x52: {  	[sflag:s0] =	ssyncadd.s32 @!p0 s1  }
0x53: {  	[bflag:$0x3] =	sbarrier.arrive $0xFFFF  }
0x54: {  	_ =	shalt  }

</sc_bundles>
